<compile_context>
chip_gen: v7x
topology: tpu7x:2x2x1
jax: 0.10.2.dev20260603
libtpu: 0.0.44.dev20260713+nightly
codegen_flags: <defaults>
</compile_context>

<pallas_src>
import functools

import jax
import jax.numpy as jnp
from jax import lax
from jax.experimental import pallas as pl
from jax.experimental.pallas import tpu as pltpu
from jax.experimental.pallas import tpu_sc as plsc

D_ = 2048
B_ = 4 * 8192
NW_ = 32
BPW_ = B_ // NW_
CH_ = 8
NCHUNK_ = BPW_ // CH_
NBUF_ = 7
_MAIN_ = ((NCHUNK_ - NBUF_) // NBUF_) * NBUF_


def _make_gather():
    mesh = plsc.VectorSubcoreMesh(core_axis_name="c", subcore_axis_name="s")

    @functools.partial(
        pl.kernel,
        mesh=mesh,
        out_type=jax.ShapeDtypeStruct((B_, D_), jnp.float32),
        scratch_types=[
            pltpu.VMEM((BPW_,), jnp.int32),
            pltpu.VMEM((NBUF_, CH_, D_), jnp.float32),
            pltpu.SemaphoreType.DMA((NBUF_,)),
            pltpu.SemaphoreType.DMA((NBUF_,)),
        ],
    )
    def gather_kernel(idx_hbm, table_hbm, out_hbm, idx_v, rows_v, gsem, ssem):
        wid = lax.axis_index("s") * 2 + lax.axis_index("c")
        base = wid * BPW_
        pltpu.sync_copy(idx_hbm.at[pl.ds(base, BPW_)], idx_v)

        def gather_src(c):
            return table_hbm.at[idx_v.at[pl.ds(c * CH_, CH_)]]

        def out_dst(c):
            return out_hbm.at[pl.ds(base + c * CH_, CH_)]

        def step(c, b, refill):
            pltpu.make_async_copy(gather_src(c), rows_v.at[b],
                                  gsem.at[b]).wait()
            pltpu.async_copy(rows_v.at[b], out_dst(c), ssem.at[b])
            pltpu.make_async_copy(rows_v.at[b], out_dst(c),
                                  ssem.at[b]).wait()
            if refill:
                pltpu.async_copy(gather_src(c + NBUF_), rows_v.at[b],
                                 gsem.at[b])

        for b in range(NBUF_):
            pltpu.async_copy(gather_src(b), rows_v.at[b], gsem.at[b])

        @pl.loop(0, _MAIN_, step=NBUF_)
        def _grp(c0):
            for j in range(NBUF_):
                step(c0 + j, j, True)

        for c in range(_MAIN_, NCHUNK_):
            step(c, c % NBUF_, c + NBUF_ < NCHUNK_)

    return gather_kernel


_gather = _make_gather()


@jax.jit
def kernel(indices, table):
    flat_idx = jnp.reshape(indices, (B_,)).astype(jnp.int32)
    out = _gather(flat_idx, table)
    return jnp.reshape(out, (indices.shape[0], indices.shape[1], D_))

# --- scband reference (transcript-rebuilt; emitter-appended) ---
"""Pipeline reference for scband-position-encoder-15779709846076 (READ-ONLY COPY).

The authoritative reference and input builder live on the scoring server;
editing this copy changes nothing except your own understanding.
"""

import jax, jax.numpy as jnp
import numpy as np

MAX_STEPS = 8192
MAX_DIMS = 2048

def make_table(max_steps, max_dims):
    if max_dims % 2 == 1:
        max_dims += 1
    p, i = np.meshgrid(np.arange(max_steps), np.arange(max_dims // 2))
    pos_emb = np.empty((max_steps, max_dims))
    pos_emb[:, ::2] = np.sin(p / 10000 ** (2 * i / max_dims)).T
    pos_emb[:, 1::2] = np.cos(p / 10000 ** (2 * i / max_dims)).T
    return jnp.asarray(pos_emb.astype(np.float32))

def setup_inputs(seed: int = 0) -> dict:
    key = jax.random.key(seed)
    indices = jax.random.randint(key, (4, 8192, 1), 0, MAX_STEPS)
    table = make_table(MAX_STEPS, MAX_DIMS)
    return {"indices": indices, "table": table}

def reference(indices, table):
    # tf.gather_nd(table, indices) with indices[..., 1] -> row gather
    return jnp.take(table, indices[..., 0], axis=0)

if __name__ == "__main__":
    import jax
    _d = setup_inputs()
    print(jax.jit(kernel)(*tuple(_d.values())))

</pallas_src>

<mosaic_0001>
#map = affine_map<(d0, d1) -> (0)>
#map1 = affine_map<(d0, d1) -> (0, 0)>
module attributes {stable_mosaic.version = 14 : i64} {
  func.func @gather_kernel(%arg0: i32, %arg1: i32, %arg2: memref<32768xi32, #tpu.memory_space<hbm>>, %arg3: memref<8192x2048xf32, #tpu.memory_space<hbm>>, %arg4: memref<32768x2048xf32, #tpu.memory_space<hbm>>, %arg5: memref<1024xi32, #tpu.memory_space<vmem>>, %arg6: memref<7x8x2048xf32, #tpu.memory_space<vmem>>, %arg7: memref<7x!tpu.dma_semaphore, #tpu.memory_space<semaphore_mem>>, %arg8: memref<7x!tpu.dma_semaphore, #tpu.memory_space<semaphore_mem>>) attributes {dimension_semantics = [#tpu.dimension_semantics<core_parallel>, #tpu.dimension_semantics<subcore_parallel>], iteration_bounds = array<i64: 2, 16>, scalar_prefetch = 0 : i64, scratch_operands = 4 : i64, tpu.core_type = #tpu.core_type<sc_vector_subcore>, window_params = [{transform_indices = #map}, {transform_indices = #map1}, {transform_indices = #map1}]} {
    %mul3A = arith.constant 2 : i32
    %mul3A_0 = arith.muli %arg1, %mul3A : i32
    %add3A = arith.addi %mul3A_0, %arg0 : i32
    %mul3A_1 = arith.constant 1024 : i32
    %mul3A_2 = arith.muli %add3A, %mul3A_1 : i32
    "tpu.region"() ({
      %run_scoped3A = tpu.sem_alloc : memref<!tpu.dma_semaphore, #tpu.memory_space<semaphore_mem>>
      %dma_start3A_563 = tpu.memref_slice %arg2[%mul3A_2] : memref<32768xi32, #tpu.memory_space<hbm>> -> memref<1024xi32, #tpu.memory_space<hbm>>
      %dma_start3A_564 = tpu.memref_slice %arg2[%mul3A_2] : memref<32768xi32, #tpu.memory_space<hbm>> -> memref<1024xi32, #tpu.memory_space<hbm>>
      tpu.enqueue_dma source(%dma_start3A_564 : memref<1024xi32, #tpu.memory_space<hbm>>) target(%arg5 : memref<1024xi32, #tpu.memory_space<vmem>>) target_semaphore(%run_scoped3A : memref<!tpu.dma_semaphore, #tpu.memory_space<semaphore_mem>>)
      %dma_wait3A_565 = tpu.memref_slice %arg2[%mul3A_2] : memref<32768xi32, #tpu.memory_space<hbm>> -> memref<1024xi32, #tpu.memory_space<hbm>>
      %dma_wait3A_566 = tpu.memref_slice %arg2[%mul3A_2] : memref<32768xi32, #tpu.memory_space<hbm>> -> memref<1024xi32, #tpu.memory_space<hbm>>
      tpu.wait_dma2 semaphore(%run_scoped3A : memref<!tpu.dma_semaphore, #tpu.memory_space<semaphore_mem>>) src(%dma_wait3A_566 : memref<1024xi32, #tpu.memory_space<hbm>>) dst(%arg5 : memref<1024xi32, #tpu.memory_space<vmem>>)
      tpu.yield
    }) : () -> ()
    %dma_start3A = arith.constant 0 : i32
    %dma_start3A_3 = arith.constant 0 : i32
    %dma_start3A_4 = arith.constant 0 : i32
    %dma_start3A_5 = arith.constant 0 : i32
    %dma_start3A_6 = tpu.memref_slice %arg6[%dma_start3A, %dma_start3A_4, %dma_start3A_5] : memref<7x8x2048xf32, #tpu.memory_space<vmem>> -> memref<1x8x2048xf32, #tpu.memory_space<vmem>>
    %dma_start3A_7 = tpu.memref_squeeze %dma_start3A_6 : memref<1x8x2048xf32, #tpu.memory_space<vmem>> -> memref<8x2048xf32, #tpu.memory_space<vmem>>
    %dma_start3A_8 = arith.constant 0 : i32
    %dma_start3A_9 = tpu.memref_slice %arg5[%dma_start3A_8] : memref<1024xi32, #tpu.memory_space<vmem>> -> memref<8xi32, #tpu.memory_space<vmem>>
    %dma_start3A_10 = arith.constant 0 : i32
    %dma_start3A_11 = arith.constant 0 : i32
    %dma_start3A_12 = tpu.memref_slice %arg3[%dma_start3A_10, %dma_start3A_11] : memref<8192x2048xf32, #tpu.memory_space<hbm>> -> memref<8192x2048xf32, #tpu.memory_space<hbm>>
    %dma_start3A_13 = tpu.memref_slice %arg7[%dma_start3A_3] : memref<7x!tpu.dma_semaphore, #tpu.memory_space<semaphore_mem>> -> memref<1x!tpu.dma_semaphore, #tpu.memory_space<semaphore_mem>>
    %dma_start3A_14 = tpu.memref_squeeze %dma_start3A_13 : memref<1x!tpu.dma_semaphore, #tpu.memory_space<semaphore_mem>> -> memref<!tpu.dma_semaphore, #tpu.memory_space<semaphore_mem>>
    tpu.enqueue_indirect_dma source(%dma_start3A_12 : memref<8192x2048xf32, #tpu.memory_space<hbm>>) target(%dma_start3A_7 : memref<8x2048xf32, #tpu.memory_space<vmem>>) offsets(%dma_start3A_9 : memref<8xi32, #tpu.memory_space<vmem>>) semaphore(%dma_start3A_14 : memref<!tpu.dma_semaphore, #tpu.memory_space<semaphore_mem>>)
    %dma_start3A_15 = arith.constant 1 : i32
    %dma_start3A_16 = arith.constant 1 : i32
    %dma_start3A_17 = arith.constant 0 : i32
    %dma_start3A_18 = arith.constant 0 : i32
    %dma_start3A_19 = tpu.memref_slice %arg6[%dma_start3A_15, %dma_start3A_17, %dma_start3A_18] : memref<7x8x2048xf32, #tpu.memory_space<vmem>> -> memref<1x8x2048xf32, #tpu.memory_space<vmem>>
    %dma_start3A_20 = tpu.memref_squeeze %dma_start3A_19 : memref<1x8x2048xf32, #tpu.memory_space<vmem>> -> memref<8x2048xf32, #tpu.memory_space<vmem>>
    %dma_start3A_21 = arith.constant 8 : i32
    %dma_start3A_22 = tpu.memref_slice %arg5[%dma_start3A_21] : memref<1024xi32, #tpu.memory_space<vmem>> -> memref<8xi32, #tpu.memory_space<vmem>>
    %dma_start3A_23 = arith.constant 0 : i32
    %dma_start3A_24 = arith.constant 0 : i32
    %dma_start3A_25 = tpu.memref_slice %arg3[%dma_start3A_23, %dma_start3A_24] : memref<8192x2048xf32, #tpu.memory_space<hbm>> -> memref<8192x2048xf32, #tpu.memory_space<hbm>>
    %dma_start3A_26 = tpu.memref_slice %arg7[%dma_start3A_16] : memref<7x!tpu.dma_semaphore, #tpu.memory_space<semaphore_mem>> -> memref<1x!tpu.dma_semaphore, #tpu.memory_space<semaphore_mem>>
    %dma_start3A_27 = tpu.memref_squeeze %dma_start3A_26 : memref<1x!tpu.dma_semaphore, #tpu.memory_space<semaphore_mem>> -> memref<!tpu.dma_semaphore, #tpu.memory_space<semaphore_mem>>
    tpu.enqueue_indirect_dma source(%dma_start3A_25 : memref<8192x2048xf32, #tpu.memory_space<hbm>>) target(%dma_start3A_20 : memref<8x2048xf32, #tpu.memory_space<vmem>>) offsets(%dma_start3A_22 : memref<8xi32, #tpu.memory_space<vmem>>) semaphore(%dma_start3A_27 : memref<!tpu.dma_semaphore, #tpu.memory_space<semaphore_mem>>)
    %dma_start3A_28 = arith.constant 2 : i32
    %dma_start3A_29 = arith.constant 2 : i32
    %dma_start3A_30 = arith.constant 0 : i32
    %dma_start3A_31 = arith.constant 0 : i32
    %dma_start3A_32 = tpu.memref_slice %arg6[%dma_start3A_28, %dma_start3A_30, %dma_start3A_31] : memref<7x8x2048xf32, #tpu.memory_space<vmem>> -> memref<1x8x2048xf32, #tpu.memory_space<vmem>>
    %dma_start3A_33 = tpu.memref_squeeze %dma_start3A_32 : memref<1x8x2048xf32, #tpu.memory_space<vmem>> -> memref<8x2048xf32, #tpu.memory_space<vmem>>
    %dma_start3A_34 = arith.constant 16 : i32
    %dma_start3A_35 = tpu.memref_slice %arg5[%dma_start3A_34] : memref<1024xi32, #tpu.memory_space<vmem>> -> memref<8xi32, #tpu.memory_space<vmem>>
    %dma_start3A_36 = arith.constant 0 : i32
    %dma_start3A_37 = arith.constant 0 : i32
    %dma_start3A_38 = tpu.memref_slice %arg3[%dma_start3A_36, %dma_start3A_37] : memref<8192x2048xf32, #tpu.memory_space<hbm>> -> memref<8192x2048xf32, #tpu.memory_space<hbm>>
    %dma_start3A_39 = tpu.memref_slice %arg7[%dma_start3A_29] : memref<7x!tpu.dma_semaphore, #tpu.memory_space<semaphore_mem>> -> memref<1x!tpu.dma_semaphore, #tpu.memory_space<semaphore_mem>>
    %dma_start3A_40 = tpu.memref_squeeze %dma_start3A_39 : memref<1x!tpu.dma_semaphore, #tpu.memory_space<semaphore_mem>> -> memref<!tpu.dma_semaphore, #tpu.memory_space<semaphore_mem>>
    tpu.enqueue_indirect_dma source(%dma_start3A_38 : memref<8192x2048xf32, #tpu.memory_space<hbm>>) target(%dma_start3A_33 : memref<8x2048xf32, #tpu.memory_space<vmem>>) offsets(%dma_start3A_35 : memref<8xi32, #tpu.memory_space<vmem>>) semaphore(%dma_start3A_40 : memref<!tpu.dma_semaphore, #tpu.memory_space<semaphore_mem>>)
    %dma_start3A_41 = arith.constant 3 : i32
    %dma_start3A_42 = arith.constant 3 : i32
    %dma_start3A_43 = arith.constant 0 : i32
    %dma_start3A_44 = arith.constant 0 : i32
    %dma_start3A_45 = tpu.memref_slice %arg6[%dma_start3A_41, %dma_start3A_43, %dma_start3A_44] : memref<7x8x2048xf32, #tpu.memory_space<vmem>> -> memref<1x8x2048xf32, #tpu.memory_space<vmem>>
    %dma_start3A_46 = tpu.memref_squeeze %dma_start3A_45 : memref<1x8x2048xf32, #tpu.memory_space<vmem>> -> memref<8x2048xf32, #tpu.memory_space<vmem>>
    %dma_start3A_47 = arith.constant 24 : i32
    %dma_start3A_48 = tpu.memref_slice %arg5[%dma_start3A_47] : memref<1024xi32, #tpu.memory_space<vmem>> -> memref<8xi32, #tpu.memory_space<vmem>>
    %dma_start3A_49 = arith.constant 0 : i32
    %dma_start3A_50 = arith.constant 0 : i32
    %dma_start3A_51 = tpu.memref_slice %arg3[%dma_start3A_49, %dma_start3A_50] : memref<8192x2048xf32, #tpu.memory_space<hbm>> -> memref<8192x2048xf32, #tpu.memory_space<hbm>>
    %dma_start3A_52 = tpu.memref_slice %arg7[%dma_start3A_42] : memref<7x!tpu.dma_semaphore, #tpu.memory_space<semaphore_mem>> -> memref<1x!tpu.dma_semaphore, #tpu.memory_space<semaphore_mem>>
    %dma_start3A_53 = tpu.memref_squeeze %dma_start3A_52 : memref<1x!tpu.dma_semaphore, #tpu.memory_space<semaphore_mem>> -> memref<!tpu.dma_semaphore, #tpu.memory_space<semaphore_mem>>
    tpu.enqueue_indirect_dma source(%dma_start3A_51 : memref<8192x2048xf32, #tpu.memory_space<hbm>>) target(%dma_start3A_46 : memref<8x2048xf32, #tpu.memory_space<vmem>>) offsets(%dma_start3A_48 : memref<8xi32, #tpu.memory_space<vmem>>) semaphore(%dma_start3A_53 : memref<!tpu.dma_semaphore, #tpu.memory_space<semaphore_mem>>)
    %dma_start3A_54 = arith.constant 4 : i32
    %dma_start3A_55 = arith.constant 4 : i32
    %dma_start3A_56 = arith.constant 0 : i32
    %dma_start3A_57 = arith.constant 0 : i32
    %dma_start3A_58 = tpu.memref_slice %arg6[%dma_start3A_54, %dma_start3A_56, %dma_start3A_57] : memref<7x8x2048xf32, #tpu.memory_space<vmem>> -> memref<1x8x2048xf32, #tpu.memory_space<vmem>>
    %dma_start3A_59 = tpu.memref_squeeze %dma_start3A_58 : memref<1x8x2048xf32, #tpu.memory_space<vmem>> -> memref<8x2048xf32, #tpu.memory_space<vmem>>
    %dma_start3A_60 = arith.constant 32 : i32
    %dma_start3A_61 = tpu.memref_slice %arg5[%dma_start3A_60] : memref<1024xi32, #tpu.memory_space<vmem>> -> memref<8xi32, #tpu.memory_space<vmem>>
    %dma_start3A_62 = arith.constant 0 : i32
    %dma_start3A_63 = arith.constant 0 : i32
    %dma_start3A_64 = tpu.memref_slice %arg3[%dma_start3A_62, %dma_start3A_63] : memref<8192x2048xf32, #tpu.memory_space<hbm>> -> memref<8192x2048xf32, #tpu.memory_space<hbm>>
    %dma_start3A_65 = tpu.memref_slice %arg7[%dma_start3A_55] : memref<7x!tpu.dma_semaphore, #tpu.memory_space<semaphore_mem>> -> memref<1x!tpu.dma_semaphore, #tpu.memory_space<semaphore_mem>>
    %dma_start3A_66 = tpu.memref_squeeze %dma_start3A_65 : memref<1x!tpu.dma_semaphore, #tpu.memory_space<semaphore_mem>> -> memref<!tpu.dma_semaphore, #tpu.memory_space<semaphore_mem>>
    tpu.enqueue_indirect_dma source(%dma_start3A_64 : memref<8192x2048xf32, #tpu.memory_space<hbm>>) target(%dma_start3A_59 : memref<8x2048xf32, #tpu.memory_space<vmem>>) offsets(%dma_start3A_61 : memref<8xi32, #tpu.memory_space<vmem>>) semaphore(%dma_start3A_66 : memref<!tpu.dma_semaphore, #tpu.memory_space<semaphore_mem>>)
    %dma_start3A_67 = arith.constant 5 : i32
    %dma_start3A_68 = arith.constant 5 : i32
    %dma_start3A_69 = arith.constant 0 : i32
    %dma_start3A_70 = arith.constant 0 : i32
    %dma_start3A_71 = tpu.memref_slice %arg6[%dma_start3A_67, %dma_start3A_69, %dma_start3A_70] : memref<7x8x2048xf32, #tpu.memory_space<vmem>> -> memref<1x8x2048xf32, #tpu.memory_space<vmem>>
    %dma_start3A_72 = tpu.memref_squeeze %dma_start3A_71 : memref<1x8x2048xf32, #tpu.memory_space<vmem>> -> memref<8x2048xf32, #tpu.memory_space<vmem>>
    %dma_start3A_73 = arith.constant 40 : i32
    %dma_start3A_74 = tpu.memref_slice %arg5[%dma_start3A_73] : memref<1024xi32, #tpu.memory_space<vmem>> -> memref<8xi32, #tpu.memory_space<vmem>>
    %dma_start3A_75 = arith.constant 0 : i32
    %dma_start3A_76 = arith.constant 0 : i32
    %dma_start3A_77 = tpu.memref_slice %arg3[%dma_start3A_75, %dma_start3A_76] : memref<8192x2048xf32, #tpu.memory_space<hbm>> -> memref<8192x2048xf32, #tpu.memory_space<hbm>>
    %dma_start3A_78 = tpu.memref_slice %arg7[%dma_start3A_68] : memref<7x!tpu.dma_semaphore, #tpu.memory_space<semaphore_mem>> -> memref<1x!tpu.dma_semaphore, #tpu.memory_space<semaphore_mem>>
    %dma_start3A_79 = tpu.memref_squeeze %dma_start3A_78 : memref<1x!tpu.dma_semaphore, #tpu.memory_space<semaphore_mem>> -> memref<!tpu.dma_semaphore, #tpu.memory_space<semaphore_mem>>
    tpu.enqueue_indirect_dma source(%dma_start3A_77 : memref<8192x2048xf32, #tpu.memory_space<hbm>>) target(%dma_start3A_72 : memref<8x2048xf32, #tpu.memory_space<vmem>>) offsets(%dma_start3A_74 : memref<8xi32, #tpu.memory_space<vmem>>) semaphore(%dma_start3A_79 : memref<!tpu.dma_semaphore, #tpu.memory_space<semaphore_mem>>)
    %dma_start3A_80 = arith.constant 6 : i32
    %dma_start3A_81 = arith.constant 6 : i32
    %dma_start3A_82 = arith.constant 0 : i32
    %dma_start3A_83 = arith.constant 0 : i32
    %dma_start3A_84 = tpu.memref_slice %arg6[%dma_start3A_80, %dma_start3A_82, %dma_start3A_83] : memref<7x8x2048xf32, #tpu.memory_space<vmem>> -> memref<1x8x2048xf32, #tpu.memory_space<vmem>>
    %dma_start3A_85 = tpu.memref_squeeze %dma_start3A_84 : memref<1x8x2048xf32, #tpu.memory_space<vmem>> -> memref<8x2048xf32, #tpu.memory_space<vmem>>
    %dma_start3A_86 = arith.constant 48 : i32
    %dma_start3A_87 = tpu.memref_slice %arg5[%dma_start3A_86] : memref<1024xi32, #tpu.memory_space<vmem>> -> memref<8xi32, #tpu.memory_space<vmem>>
    %dma_start3A_88 = arith.constant 0 : i32
    %dma_start3A_89 = arith.constant 0 : i32
    %dma_start3A_90 = tpu.memref_slice %arg3[%dma_start3A_88, %dma_start3A_89] : memref<8192x2048xf32, #tpu.memory_space<hbm>> -> memref<8192x2048xf32, #tpu.memory_space<hbm>>
    %dma_start3A_91 = tpu.memref_slice %arg7[%dma_start3A_81] : memref<7x!tpu.dma_semaphore, #tpu.memory_space<semaphore_mem>> -> memref<1x!tpu.dma_semaphore, #tpu.memory_space<semaphore_mem>>
    %dma_start3A_92 = tpu.memref_squeeze %dma_start3A_91 : memref<1x!tpu.dma_semaphore, #tpu.memory_space<semaphore_mem>> -> memref<!tpu.dma_semaphore, #tpu.memory_space<semaphore_mem>>
    tpu.enqueue_indirect_dma source(%dma_start3A_90 : memref<8192x2048xf32, #tpu.memory_space<hbm>>) target(%dma_start3A_85 : memref<8x2048xf32, #tpu.memory_space<vmem>>) offsets(%dma_start3A_87 : memref<8xi32, #tpu.memory_space<vmem>>) semaphore(%dma_start3A_92 : memref<!tpu.dma_semaphore, #tpu.memory_space<semaphore_mem>>)
    %scan3A = arith.constant 0 : i32
    %scan3A_93 = arith.constant 17 : i32
    %scan3A_94 = arith.addi %scan3A, %scan3A_93 : i32
    %scan3A_95 = arith.constant 1 : i32
    scf.for %scan3A_563 = %scan3A to %scan3A_94 step %scan3A_95  : i32 {
      %mul3A_564 = arith.constant 7 : i32
      %mul3A_565 = arith.muli %scan3A_563, %mul3A_564 : i32
      %add3A_566 = arith.constant 0 : i32
      %add3A_567 = arith.addi %add3A_566, %mul3A_565 : i32
      %add3A_568 = arith.constant 0 : i32
      %add3A_569 = arith.addi %add3A_567, %add3A_568 : i32
      %mul3A_570 = arith.constant 8 : i32
      %mul3A_571 = arith.muli %add3A_569, %mul3A_570 : i32
      %dma_wait3A_572 = arith.constant 0 : i32
      %dma_wait3A_573 = arith.constant 0 : i32
      %dma_wait3A_574 = arith.constant 0 : i32
      %dma_wait3A_575 = arith.constant 0 : i32
      %dma_wait3A_576 = tpu.memref_slice %arg6[%dma_wait3A_572, %dma_wait3A_574, %dma_wait3A_575] : memref<7x8x2048xf32, #tpu.memory_space<vmem>> -> memref<1x8x2048xf32, #tpu.memory_space<vmem>>
      %dma_wait3A_577 = tpu.memref_squeeze %dma_wait3A_576 : memref<1x8x2048xf32, #tpu.memory_space<vmem>> -> memref<8x2048xf32, #tpu.memory_space<vmem>>
      %dma_wait3A_578 = tpu.memref_slice %arg5[%mul3A_571] : memref<1024xi32, #tpu.memory_space<vmem>> -> memref<8xi32, #tpu.memory_space<vmem>>
      %dma_wait3A_579 = arith.constant 0 : i32
      %dma_wait3A_580 = arith.constant 0 : i32
      %dma_wait3A_581 = tpu.memref_slice %arg3[%dma_wait3A_579, %dma_wait3A_580] : memref<8192x2048xf32, #tpu.memory_space<hbm>> -> memref<8192x2048xf32, #tpu.memory_space<hbm>>
      %dma_wait3A_582 = tpu.memref_slice %arg7[%dma_wait3A_573] : memref<7x!tpu.dma_semaphore, #tpu.memory_space<semaphore_mem>> -> memref<1x!tpu.dma_semaphore, #tpu.memory_space<semaphore_mem>>
      %dma_wait3A_583 = tpu.memref_squeeze %dma_wait3A_582 : memref<1x!tpu.dma_semaphore, #tpu.memory_space<semaphore_mem>> -> memref<!tpu.dma_semaphore, #tpu.memory_space<semaphore_mem>>
      tpu.wait_indirect_dma semaphore(%dma_wait3A_583 : memref<!tpu.dma_semaphore, #tpu.memory_space<semaphore_mem>>) src(%dma_wait3A_581 : memref<8192x2048xf32, #tpu.memory_space<hbm>>) dst(%dma_wait3A_577 : memref<8x2048xf32, #tpu.memory_space<vmem>>)
      %mul3A_584 = arith.constant 8 : i32
      %mul3A_585 = arith.muli %add3A_569, %mul3A_584 : i32
      %add3A_586 = arith.addi %mul3A_2, %mul3A_585 : i32
      %dma_start3A_587 = arith.constant 0 : i32
      %dma_start3A_588 = arith.constant 0 : i32
      %dma_start3A_589 = arith.constant 0 : i32
      %dma_start3A_590 = arith.constant 0 : i32
      %dma_start3A_591 = tpu.memref_slice %arg6[%dma_start3A_587, %dma_start3A_589, %dma_start3A_590] : memref<7x8x2048xf32, #tpu.memory_space<vmem>> -> memref<1x8x2048xf32, #tpu.memory_space<vmem>>
      %dma_start3A_592 = tpu.memref_squeeze %dma_start3A_591 : memref<1x8x2048xf32, #tpu.memory_space<vmem>> -> memref<8x2048xf32, #tpu.memory_space<vmem>>
      %dma_start3A_593 = arith.constant 0 : i32
      %dma_start3A_594 = tpu.memref_slice %arg4[%add3A_586, %dma_start3A_593] : memref<32768x2048xf32, #tpu.memory_space<hbm>> -> memref<8x2048xf32, #tpu.memory_space<hbm>>
      %dma_start3A_595 = tpu.memref_slice %arg8[%dma_start3A_588] : memref<7x!tpu.dma_semaphore, #tpu.memory_space<semaphore_mem>> -> memref<1x!tpu.dma_semaphore, #tpu.memory_space<semaphore_mem>>
      %dma_start3A_596 = tpu.memref_squeeze %dma_start3A_595 : memref<1x!tpu.dma_semaphore, #tpu.memory_space<semaphore_mem>> -> memref<!tpu.dma_semaphore, #tpu.memory_space<semaphore_mem>>
      %dma_start3A_597 = arith.constant 0 : i32
      %dma_start3A_598 = tpu.memref_slice %arg4[%add3A_586, %dma_start3A_597] : memref<32768x2048xf32, #tpu.memory_space<hbm>> -> memref<8x2048xf32, #tpu.memory_space<hbm>>
      %dma_start3A_599 = arith.constant 0 : i32
      %dma_start3A_600 = arith.constant 0 : i32
      %dma_start3A_601 = tpu.memref_slice %arg6[%dma_start3A_587, %dma_start3A_599, %dma_start3A_600] : memref<7x8x2048xf32, #tpu.memory_space<vmem>> -> memref<1x8x2048xf32, #tpu.memory_space<vmem>>
      %dma_start3A_602 = tpu.memref_squeeze %dma_start3A_601 : memref<1x8x2048xf32, #tpu.memory_space<vmem>> -> memref<8x2048xf32, #tpu.memory_space<vmem>>
      tpu.enqueue_dma source(%dma_start3A_602 : memref<8x2048xf32, #tpu.memory_space<vmem>>) target(%dma_start3A_598 : memref<8x2048xf32, #tpu.memory_space<hbm>>) target_semaphore(%dma_start3A_596 : memref<!tpu.dma_semaphore, #tpu.memory_space<semaphore_mem>>)
      %mul3A_603 = arith.constant 8 : i32
      %mul3A_604 = arith.muli %add3A_569, %mul3A_603 : i32
      %add3A_605 = arith.addi %mul3A_2, %mul3A_604 : i32
      %dma_wait3A_606 = arith.constant 0 : i32
      %dma_wait3A_607 = arith.constant 0 : i32
      %dma_wait3A_608 = arith.constant 0 : i32
      %dma_wait3A_609 = arith.constant 0 : i32
      %dma_wait3A_610 = tpu.memref_slice %arg6[%dma_wait3A_606, %dma_wait3A_608, %dma_wait3A_609] : memref<7x8x2048xf32, #tpu.memory_space<vmem>> -> memref<1x8x2048xf32, #tpu.memory_space<vmem>>
      %dma_wait3A_611 = tpu.memref_squeeze %dma_wait3A_610 : memref<1x8x2048xf32, #tpu.memory_space<vmem>> -> memref<8x2048xf32, #tpu.memory_space<vmem>>
      %dma_wait3A_612 = arith.constant 0 : i32
      %dma_wait3A_613 = tpu.memref_slice %arg4[%add3A_605, %dma_wait3A_612] : memref<32768x2048xf32, #tpu.memory_space<hbm>> -> memref<8x2048xf32, #tpu.memory_space<hbm>>
      %dma_wait3A_614 = tpu.memref_slice %arg8[%dma_wait3A_607] : memref<7x!tpu.dma_semaphore, #tpu.memory_space<semaphore_mem>> -> memref<1x!tpu.dma_semaphore, #tpu.memory_space<semaphore_mem>>
      %dma_wait3A_615 = tpu.memref_squeeze %dma_wait3A_614 : memref<1x!tpu.dma_semaphore, #tpu.memory_space<semaphore_mem>> -> memref<!tpu.dma_semaphore, #tpu.memory_space<semaphore_mem>>
      %dma_wait3A_616 = arith.constant 0 : i32
      %dma_wait3A_617 = tpu.memref_slice %arg4[%add3A_605, %dma_wait3A_616] : memref<32768x2048xf32, #tpu.memory_space<hbm>> -> memref<8x2048xf32, #tpu.memory_space<hbm>>
      %dma_wait3A_618 = arith.constant 0 : i32
      %dma_wait3A_619 = arith.constant 0 : i32
      %dma_wait3A_620 = tpu.memref_slice %arg6[%dma_wait3A_606, %dma_wait3A_618, %dma_wait3A_619] : memref<7x8x2048xf32, #tpu.memory_space<vmem>> -> memref<1x8x2048xf32, #tpu.memory_space<vmem>>
      %dma_wait3A_621 = tpu.memref_squeeze %dma_wait3A_620 : memref<1x8x2048xf32, #tpu.memory_space<vmem>> -> memref<8x2048xf32, #tpu.memory_space<vmem>>
      tpu.wait_dma2 semaphore(%dma_wait3A_615 : memref<!tpu.dma_semaphore, #tpu.memory_space<semaphore_mem>>) src(%dma_wait3A_621 : memref<8x2048xf32, #tpu.memory_space<vmem>>) dst(%dma_wait3A_617 : memref<8x2048xf32, #tpu.memory_space<hbm>>)
      %add3A_622 = arith.constant 7 : i32
      %add3A_623 = arith.addi %add3A_569, %add3A_622 : i32
      %mul3A_624 = arith.constant 8 : i32
      %mul3A_625 = arith.muli %add3A_623, %mul3A_624 : i32
      %dma_start3A_626 = arith.constant 0 : i32
      %dma_start3A_627 = arith.constant 0 : i32
      %dma_start3A_628 = arith.constant 0 : i32
      %dma_start3A_629 = arith.constant 0 : i32
      %dma_start3A_630 = tpu.memref_slice %arg6[%dma_start3A_626, %dma_start3A_628, %dma_start3A_629] : memref<7x8x2048xf32, #tpu.memory_space<vmem>> -> memref<1x8x2048xf32, #tpu.memory_space<vmem>>
      %dma_start3A_631 = tpu.memref_squeeze %dma_start3A_630 : memref<1x8x2048xf32, #tpu.memory_space<vmem>> -> memref<8x2048xf32, #tpu.memory_space<vmem>>
      %dma_start3A_632 = tpu.memref_slice %arg5[%mul3A_625] : memref<1024xi32, #tpu.memory_space<vmem>> -> memref<8xi32, #tpu.memory_space<vmem>>
      %dma_start3A_633 = arith.constant 0 : i32
      %dma_start3A_634 = arith.constant 0 : i32
      %dma_start3A_635 = tpu.memref_slice %arg3[%dma_start3A_633, %dma_start3A_634] : memref<8192x2048xf32, #tpu.memory_space<hbm>> -> memref<8192x2048xf32, #tpu.memory_space<hbm>>
      %dma_start3A_636 = tpu.memref_slice %arg7[%dma_start3A_627] : memref<7x!tpu.dma_semaphore, #tpu.memory_space<semaphore_mem>> -> memref<1x!tpu.dma_semaphore, #tpu.memory_space<semaphore_mem>>
      %dma_start3A_637 = tpu.memref_squeeze %dma_start3A_636 : memref<1x!tpu.dma_semaphore, #tpu.memory_space<semaphore_mem>> -> memref<!tpu.dma_semaphore, #tpu.memory_space<semaphore_mem>>
      tpu.enqueue_indirect_dma source(%dma_start3A_635 : memref<8192x2048xf32, #tpu.memory_space<hbm>>) target(%dma_start3A_631 : memref<8x2048xf32, #tpu.memory_space<vmem>>) offsets(%dma_start3A_632 : memref<8xi32, #tpu.memory_space<vmem>>) semaphore(%dma_start3A_637 : memref<!tpu.dma_semaphore, #tpu.memory_space<semaphore_mem>>)
      %add3A_638 = arith.constant 1 : i32
      %add3A_639 = arith.addi %add3A_567, %add3A_638 : i32
      %mul3A_640 = arith.constant 8 : i32
      %mul3A_641 = arith.muli %add3A_639, %mul3A_640 : i32
      %dma_wait3A_642 = arith.constant 1 : i32
      %dma_wait3A_643 = arith.constant 1 : i32
      %dma_wait3A_644 = arith.constant 0 : i32
      %dma_wait3A_645 = arith.constant 0 : i32
      %dma_wait3A_646 = tpu.memref_slice %arg6[%dma_wait3A_642, %dma_wait3A_644, %dma_wait3A_645] : memref<7x8x2048xf32, #tpu.memory_space<vmem>> -> memref<1x8x2048xf32, #tpu.memory_space<vmem>>
      %dma_wait3A_647 = tpu.memref_squeeze %dma_wait3A_646 : memref<1x8x2048xf32, #tpu.memory_space<vmem>> -> memref<8x2048xf32, #tpu.memory_space<vmem>>
      %dma_wait3A_648 = tpu.memref_slice %arg5[%mul3A_641] : memref<1024xi32, #tpu.memory_space<vmem>> -> memref<8xi32, #tpu.memory_space<vmem>>
      %dma_wait3A_649 = arith.constant 0 : i32
      %dma_wait3A_650 = arith.constant 0 : i32
      %dma_wait3A_651 = tpu.memref_slice %arg3[%dma_wait3A_649, %dma_wait3A_650] : memref<8192x2048xf32, #tpu.memory_space<hbm>> -> memref<8192x2048xf32, #tpu.memory_space<hbm>>
      %dma_wait3A_652 = tpu.memref_slice %arg7[%dma_wait3A_643] : memref<7x!tpu.dma_semaphore, #tpu.memory_space<semaphore_mem>> -> memref<1x!tpu.dma_semaphore, #tpu.memory_space<semaphore_mem>>
      %dma_wait3A_653 = tpu.memref_squeeze %dma_wait3A_652 : memref<1x!tpu.dma_semaphore, #tpu.memory_space<semaphore_mem>> -> memref<!tpu.dma_semaphore, #tpu.memory_space<semaphore_mem>>
      tpu.wait_indirect_dma semaphore(%dma_wait3A_653 : memref<!tpu.dma_semaphore, #tpu.memory_space<semaphore_mem>>) src(%dma_wait3A_651 : memref<8192x2048xf32, #tpu.memory_space<hbm>>) dst(%dma_wait3A_647 : memref<8x2048xf32, #tpu.memory_space<vmem>>)
      %mul3A_654 = arith.constant 8 : i32
      %mul3A_655 = arith.muli %add3A_639, %mul3A_654 : i32
      %add3A_656 = arith.addi %mul3A_2, %mul3A_655 : i32
      %dma_start3A_657 = arith.constant 1 : i32
      %dma_start3A_658 = arith.constant 1 : i32
      %dma_start3A_659 = arith.constant 0 : i32
      %dma_start3A_660 = arith.constant 0 : i32
      %dma_start3A_661 = tpu.memref_slice %arg6[%dma_start3A_657, %dma_start3A_659, %dma_start3A_660] : memref<7x8x2048xf32, #tpu.memory_space<vmem>> -> memref<1x8x2048xf32, #tpu.memory_space<vmem>>
      %dma_start3A_662 = tpu.memref_squeeze %dma_start3A_661 : memref<1x8x2048xf32, #tpu.memory_space<vmem>> -> memref<8x2048xf32, #tpu.memory_space<vmem>>
      %dma_start3A_663 = arith.constant 0 : i32
      %dma_start3A_664 = tpu.memref_slice %arg4[%add3A_656, %dma_start3A_663] : memref<32768x2048xf32, #tpu.memory_space<hbm>> -> memref<8x2048xf32, #tpu.memory_space<hbm>>
      %dma_start3A_665 = tpu.memref_slice %arg8[%dma_start3A_658] : memref<7x!tpu.dma_semaphore, #tpu.memory_space<semaphore_mem>> -> memref<1x!tpu.dma_semaphore, #tpu.memory_space<semaphore_mem>>
      %dma_start3A_666 = tpu.memref_squeeze %dma_start3A_665 : memref<1x!tpu.dma_semaphore, #tpu.memory_space<semaphore_mem>> -> memref<!tpu.dma_semaphore, #tpu.memory_space<semaphore_mem>>
      %dma_start3A_667 = arith.constant 0 : i32
      %dma_start3A_668 = tpu.memref_slice %arg4[%add3A_656, %dma_start3A_667] : memref<32768x2048xf32, #tpu.memory_space<hbm>> -> memref<8x2048xf32, #tpu.memory_space<hbm>>
      %dma_start3A_669 = arith.constant 0 : i32
      %dma_start3A_670 = arith.constant 0 : i32
      %dma_start3A_671 = tpu.memref_slice %arg6[%dma_start3A_657, %dma_start3A_669, %dma_start3A_670] : memref<7x8x2048xf32, #tpu.memory_space<vmem>> -> memref<1x8x2048xf32, #tpu.memory_space<vmem>>
      %dma_start3A_672 = tpu.memref_squeeze %dma_start3A_671 : memref<1x8x2048xf32, #tpu.memory_space<vmem>> -> memref<8x2048xf32, #tpu.memory_space<vmem>>
      tpu.enqueue_dma source(%dma_start3A_672 : memref<8x2048xf32, #tpu.memory_space<vmem>>) target(%dma_start3A_668 : memref<8x2048xf32, #tpu.memory_space<hbm>>) target_semaphore(%dma_start3A_666 : memref<!tpu.dma_semaphore, #tpu.memory_space<semaphore_mem>>)
      %mul3A_673 = arith.constant 8 : i32
      %mul3A_674 = arith.muli %add3A_639, %mul3A_673 : i32
      %add3A_675 = arith.addi %mul3A_2, %mul3A_674 : i32
      %dma_wait3A_676 = arith.constant 1 : i32
      %dma_wait3A_677 = arith.constant 1 : i32
      %dma_wait3A_678 = arith.constant 0 : i32
      %dma_wait3A_679 = arith.constant 0 : i32
      %dma_wait3A_680 = tpu.memref_slice %arg6[%dma_wait3A_676, %dma_wait3A_678, %dma_wait3A_679] : memref<7x8x2048xf32, #tpu.memory_space<vmem>> -> memref<1x8x2048xf32, #tpu.memory_space<vmem>>
      %dma_wait3A_681 = tpu.memref_squeeze %dma_wait3A_680 : memref<1x8x2048xf32, #tpu.memory_space<vmem>> -> memref<8x2048xf32, #tpu.memory_space<vmem>>
      %dma_wait3A_682 = arith.constant 0 : i32
      %dma_wait3A_683 = tpu.memref_slice %arg4[%add3A_675, %dma_wait3A_682] : memref<32768x2048xf32, #tpu.memory_space<hbm>> -> memref<8x2048xf32, #tpu.memory_space<hbm>>
      %dma_wait3A_684 = tpu.memref_slice %arg8[%dma_wait3A_677] : memref<7x!tpu.dma_semaphore, #tpu.memory_space<semaphore_mem>> -> memref<1x!tpu.dma_semaphore, #tpu.memory_space<semaphore_mem>>
      %dma_wait3A_685 = tpu.memref_squeeze %dma_wait3A_684 : memref<1x!tpu.dma_semaphore, #tpu.memory_space<semaphore_mem>> -> memref<!tpu.dma_semaphore, #tpu.memory_space<semaphore_mem>>
      %dma_wait3A_686 = arith.constant 0 : i32
      %dma_wait3A_687 = tpu.memref_slice %arg4[%add3A_675, %dma_wait3A_686] : memref<32768x2048xf32, #tpu.memory_space<hbm>> -> memref<8x2048xf32, #tpu.memory_space<hbm>>
      %dma_wait3A_688 = arith.constant 0 : i32
      %dma_wait3A_689 = arith.constant 0 : i32
      %dma_wait3A_690 = tpu.memref_slice %arg6[%dma_wait3A_676, %dma_wait3A_688, %dma_wait3A_689] : memref<7x8x2048xf32, #tpu.memory_space<vmem>> -> memref<1x8x2048xf32, #tpu.memory_space<vmem>>
      %dma_wait3A_691 = tpu.memref_squeeze %dma_wait3A_690 : memref<1x8x2048xf32, #tpu.memory_space<vmem>> -> memref<8x2048xf32, #tpu.memory_space<vmem>>
      tpu.wait_dma2 semaphore(%dma_wait3A_685 : memref<!tpu.dma_semaphore, #tpu.memory_space<semaphore_mem>>) src(%dma_wait3A_691 : memref<8x2048xf32, #tpu.memory_space<vmem>>) dst(%dma_wait3A_687 : memref<8x2048xf32, #tpu.memory_space<hbm>>)
      %add3A_692 = arith.constant 7 : i32
      %add3A_693 = arith.addi %add3A_639, %add3A_692 : i32
      %mul3A_694 = arith.constant 8 : i32
      %mul3A_695 = arith.muli %add3A_693, %mul3A_694 : i32
      %dma_start3A_696 = arith.constant 1 : i32
      %dma_start3A_697 = arith.constant 1 : i32
      %dma_start3A_698 = arith.constant 0 : i32
      %dma_start3A_699 = arith.constant 0 : i32
      %dma_start3A_700 = tpu.memref_slice %arg6[%dma_start3A_696, %dma_start3A_698, %dma_start3A_699] : memref<7x8x2048xf32, #tpu.memory_space<vmem>> -> memref<1x8x2048xf32, #tpu.memory_space<vmem>>
      %dma_start3A_701 = tpu.memref_squeeze %dma_start3A_700 : memref<1x8x2048xf32, #tpu.memory_space<vmem>> -> memref<8x2048xf32, #tpu.memory_space<vmem>>
      %dma_start3A_702 = tpu.memref_slice %arg5[%mul3A_695] : memref<1024xi32, #tpu.memory_space<vmem>> -> memref<8xi32, #tpu.memory_space<vmem>>
      %dma_start3A_703 = arith.constant 0 : i32
      %dma_start3A_704 = arith.constant 0 : i32
      %dma_start3A_705 = tpu.memref_slice %arg3[%dma_start3A_703, %dma_start3A_704] : memref<8192x2048xf32, #tpu.memory_space<hbm>> -> memref<8192x2048xf32, #tpu.memory_space<hbm>>
      %dma_start3A_706 = tpu.memref_slice %arg7[%dma_start3A_697] : memref<7x!tpu.dma_semaphore, #tpu.memory_space<semaphore_mem>> -> memref<1x!tpu.dma_semaphore, #tpu.memory_space<semaphore_mem>>
      %dma_start3A_707 = tpu.memref_squeeze %dma_start3A_706 : memref<1x!tpu.dma_semaphore, #tpu.memory_space<semaphore_mem>> -> memref<!tpu.dma_semaphore, #tpu.memory_space<semaphore_mem>>
      tpu.enqueue_indirect_dma source(%dma_start3A_705 : memref<8192x2048xf32, #tpu.memory_space<hbm>>) target(%dma_start3A_701 : memref<8x2048xf32, #tpu.memory_space<vmem>>) offsets(%dma_start3A_702 : memref<8xi32, #tpu.memory_space<vmem>>) semaphore(%dma_start3A_707 : memref<!tpu.dma_semaphore, #tpu.memory_space<semaphore_mem>>)
      %add3A_708 = arith.constant 2 : i32
      %add3A_709 = arith.addi %add3A_567, %add3A_708 : i32
      %mul3A_710 = arith.constant 8 : i32
      %mul3A_711 = arith.muli %add3A_709, %mul3A_710 : i32
      %dma_wait3A_712 = arith.constant 2 : i32
      %dma_wait3A_713 = arith.constant 2 : i32
      %dma_wait3A_714 = arith.constant 0 : i32
      %dma_wait3A_715 = arith.constant 0 : i32
      %dma_wait3A_716 = tpu.memref_slice %arg6[%dma_wait3A_712, %dma_wait3A_714, %dma_wait3A_715] : memref<7x8x2048xf32, #tpu.memory_space<vmem>> -> memref<1x8x2048xf32, #tpu.memory_space<vmem>>
      %dma_wait3A_717 = tpu.memref_squeeze %dma_wait3A_716 : memref<1x8x2048xf32, #tpu.memory_space<vmem>> -> memref<8x2048xf32, #tpu.memory_space<vmem>>
      %dma_wait3A_718 = tpu.memref_slice %arg5[%mul3A_711] : memref<1024xi32, #tpu.memory_space<vmem>> -> memref<8xi32, #tpu.memory_space<vmem>>
      %dma_wait3A_719 = arith.constant 0 : i32
      %dma_wait3A_720 = arith.constant 0 : i32
      %dma_wait3A_721 = tpu.memref_slice %arg3[%dma_wait3A_719, %dma_wait3A_720] : memref<8192x2048xf32, #tpu.memory_space<hbm>> -> memref<8192x2048xf32, #tpu.memory_space<hbm>>
      %dma_wait3A_722 = tpu.memref_slice %arg7[%dma_wait3A_713] : memref<7x!tpu.dma_semaphore, #tpu.memory_space<semaphore_mem>> -> memref<1x!tpu.dma_semaphore, #tpu.memory_space<semaphore_mem>>
      %dma_wait3A_723 = tpu.memref_squeeze %dma_wait3A_722 : memref<1x!tpu.dma_semaphore, #tpu.memory_space<semaphore_mem>> -> memref<!tpu.dma_semaphore, #tpu.memory_space<semaphore_mem>>
      tpu.wait_indirect_dma semaphore(%dma_wait3A_723 : memref<!tpu.dma_semaphore, #tpu.memory_space<semaphore_mem>>) src(%dma_wait3A_721 : memref<8192x2048xf32, #tpu.memory_space<hbm>>) dst(%dma_wait3A_717 : memref<8x2048xf32, #tpu.memory_space<vmem>>)
      %mul3A_724 = arith.constant 8 : i32
      %mul3A_725 = arith.muli %add3A_709, %mul3A_724 : i32
      %add3A_726 = arith.addi %mul3A_2, %mul3A_725 : i32
      %dma_start3A_727 = arith.constant 2 : i32
      %dma_start3A_728 = arith.constant 2 : i32
      %dma_start3A_729 = arith.constant 0 : i32
      %dma_start3A_730 = arith.constant 0 : i32
      %dma_start3A_731 = tpu.memref_slice %arg6[%dma_start3A_727, %dma_start3A_729, %dma_start3A_730] : memref<7x8x2048xf32, #tpu.memory_space<vmem>> -> memref<1x8x2048xf32, #tpu.memory_space<vmem>>
      %dma_start3A_732 = tpu.memref_squeeze %dma_start3A_731 : memref<1x8x2048xf32, #tpu.memory_space<vmem>> -> memref<8x2048xf32, #tpu.memory_space<vmem>>
      %dma_start3A_733 = arith.constant 0 : i32
      %dma_start3A_734 = tpu.memref_slice %arg4[%add3A_726, %dma_start3A_733] : memref<32768x2048xf32, #tpu.memory_space<hbm>> -> memref<8x2048xf32, #tpu.memory_space<hbm>>
      %dma_start3A_735 = tpu.memref_slice %arg8[%dma_start3A_728] : memref<7x!tpu.dma_semaphore, #tpu.memory_space<semaphore_mem>> -> memref<1x!tpu.dma_semaphore, #tpu.memory_space<semaphore_mem>>
      %dma_start3A_736 = tpu.memref_squeeze %dma_start3A_735 : memref<1x!tpu.dma_semaphore, #tpu.memory_space<semaphore_mem>> -> memref<!tpu.dma_semaphore, #tpu.memory_space<semaphore_mem>>
      %dma_start3A_737 = arith.constant 0 : i32
      %dma_start3A_738 = tpu.memref_slice %arg4[%add3A_726, %dma_start3A_737] : memref<32768x2048xf32, #tpu.memory_space<hbm>> -> memref<8x2048xf32, #tpu.memory_space<hbm>>
      %dma_start3A_739 = arith.constant 0 : i32
      %dma_start3A_740 = arith.constant 0 : i32
      %dma_start3A_741 = tpu.memref_slice %arg6[%dma_start3A_727, %dma_start3A_739, %dma_start3A_740] : memref<7x8x2048xf32, #tpu.memory_space<vmem>> -> memref<1x8x2048xf32, #tpu.memory_space<vmem>>
      %dma_start3A_742 = tpu.memref_squeeze %dma_start3A_741 : memref<1x8x2048xf32, #tpu.memory_space<vmem>> -> memref<8x2048xf32, #tpu.memory_space<vmem>>
      tpu.enqueue_dma source(%dma_start3A_742 : memref<8x2048xf32, #tpu.memory_space<vmem>>) target(%dma_start3A_738 : memref<8x2048xf32, #tpu.memory_space<hbm>>) target_semaphore(%dma_start3A_736 : memref<!tpu.dma_semaphore, #tpu.memory_space<semaphore_mem>>)
      %mul3A_743 = arith.constant 8 : i32
      %mul3A_744 = arith.muli %add3A_709, %mul3A_743 : i32
      %add3A_745 = arith.addi %mul3A_2, %mul3A_744 : i32
      %dma_wait3A_746 = arith.constant 2 : i32
      %dma_wait3A_747 = arith.constant 2 : i32
      %dma_wait3A_748 = arith.constant 0 : i32
      %dma_wait3A_749 = arith.constant 0 : i32
      %dma_wait3A_750 = tpu.memref_slice %arg6[%dma_wait3A_746, %dma_wait3A_748, %dma_wait3A_749] : memref<7x8x2048xf32, #tpu.memory_space<vmem>> -> memref<1x8x2048xf32, #tpu.memory_space<vmem>>
      %dma_wait3A_751 = tpu.memref_squeeze %dma_wait3A_750 : memref<1x8x2048xf32, #tpu.memory_space<vmem>> -> memref<8x2048xf32, #tpu.memory_space<vmem>>
      %dma_wait3A_752 = arith.constant 0 : i32
      %dma_wait3A_753 = tpu.memref_slice %arg4[%add3A_745, %dma_wait3A_752] : memref<32768x2048xf32, #tpu.memory_space<hbm>> -> memref<8x2048xf32, #tpu.memory_space<hbm>>
      %dma_wait3A_754 = tpu.memref_slice %arg8[%dma_wait3A_747] : memref<7x!tpu.dma_semaphore, #tpu.memory_space<semaphore_mem>> -> memref<1x!tpu.dma_semaphore, #tpu.memory_space<semaphore_mem>>
      %dma_wait3A_755 = tpu.memref_squeeze %dma_wait3A_754 : memref<1x!tpu.dma_semaphore, #tpu.memory_space<semaphore_mem>> -> memref<!tpu.dma_semaphore, #tpu.memory_space<semaphore_mem>>
      %dma_wait3A_756 = arith.constant 0 : i32
      %dma_wait3A_757 = tpu.memref_slice %arg4[%add3A_745, %dma_wait3A_756] : memref<32768x2048xf32, #tpu.memory_space<hbm>> -> memref<8x2048xf32, #tpu.memory_space<hbm>>
      %dma_wait3A_758 = arith.constant 0 : i32
      %dma_wait3A_759 = arith.constant 0 : i32
      %dma_wait3A_760 = tpu.memref_slice %arg6[%dma_wait3A_746, %dma_wait3A_758, %dma_wait3A_759] : memref<7x8x2048xf32, #tpu.memory_space<vmem>> -> memref<1x8x2048xf32, #tpu.memory_space<vmem>>
      %dma_wait3A_761 = tpu.memref_squeeze %dma_wait3A_760 : memref<1x8x2048xf32, #tpu.memory_space<vmem>> -> memref<8x2048xf32, #tpu.memory_space<vmem>>
      tpu.wait_dma2 semaphore(%dma_wait3A_755 : memref<!tpu.dma_semaphore, #tpu.memory_space<semaphore_mem>>) src(%dma_wait3A_761 : memref<8x2048xf32, #tpu.memory_space<vmem>>) dst(%dma_wait3A_757 : memref<8x2048xf32, #tpu.memory_space<hbm>>)
      %add3A_762 = arith.constant 7 : i32
      %add3A_763 = arith.addi %add3A_709, %add3A_762 : i32
      %mul3A_764 = arith.constant 8 : i32
      %mul3A_765 = arith.muli %add3A_763, %mul3A_764 : i32
      %dma_start3A_766 = arith.constant 2 : i32
      %dma_start3A_767 = arith.constant 2 : i32
      %dma_start3A_768 = arith.constant 0 : i32
      %dma_start3A_769 = arith.constant 0 : i32
      %dma_start3A_770 = tpu.memref_slice %arg6[%dma_start3A_766, %dma_start3A_768, %dma_start3A_769] : memref<7x8x2048xf32, #tpu.memory_space<vmem>> -> memref<1x8x2048xf32, #tpu.memory_space<vmem>>
      %dma_start3A_771 = tpu.memref_squeeze %dma_start3A_770 : memref<1x8x2048xf32, #tpu.memory_space<vmem>> -> memref<8x2048xf32, #tpu.memory_space<vmem>>
      %dma_start3A_772 = tpu.memref_slice %arg5[%mul3A_765] : memref<1024xi32, #tpu.memory_space<vmem>> -> memref<8xi32, #tpu.memory_space<vmem>>
      %dma_start3A_773 = arith.constant 0 : i32
      %dma_start3A_774 = arith.constant 0 : i32
      %dma_start3A_775 = tpu.memref_slice %arg3[%dma_start3A_773, %dma_start3A_774] : memref<8192x2048xf32, #tpu.memory_space<hbm>> -> memref<8192x2048xf32, #tpu.memory_space<hbm>>
      %dma_start3A_776 = tpu.memref_slice %arg7[%dma_start3A_767] : memref<7x!tpu.dma_semaphore, #tpu.memory_space<semaphore_mem>> -> memref<1x!tpu.dma_semaphore, #tpu.memory_space<semaphore_mem>>
      %dma_start3A_777 = tpu.memref_squeeze %dma_start3A_776 : memref<1x!tpu.dma_semaphore, #tpu.memory_space<semaphore_mem>> -> memref<!tpu.dma_semaphore, #tpu.memory_space<semaphore_mem>>
      tpu.enqueue_indirect_dma source(%dma_start3A_775 : memref<8192x2048xf32, #tpu.memory_space<hbm>>) target(%dma_start3A_771 : memref<8x2048xf32, #tpu.memory_space<vmem>>) offsets(%dma_start3A_772 : memref<8xi32, #tpu.memory_space<vmem>>) semaphore(%dma_start3A_777 : memref<!tpu.dma_semaphore, #tpu.memory_space<semaphore_mem>>)
      %add3A_778 = arith.constant 3 : i32
      %add3A_779 = arith.addi %add3A_567, %add3A_778 : i32
      %mul3A_780 = arith.constant 8 : i32
      %mul3A_781 = arith.muli %add3A_779, %mul3A_780 : i32
      %dma_wait3A_782 = arith.constant 3 : i32
      %dma_wait3A_783 = arith.constant 3 : i32
      %dma_wait3A_784 = arith.constant 0 : i32
      %dma_wait3A_785 = arith.constant 0 : i32
      %dma_wait3A_786 = tpu.memref_slice %arg6[%dma_wait3A_782, %dma_wait3A_784, %dma_wait3A_785] : memref<7x8x2048xf32, #tpu.memory_space<vmem>> -> memref<1x8x2048xf32, #tpu.memory_space<vmem>>
      %dma_wait3A_787 = tpu.memref_squeeze %dma_wait3A_786 : memref<1x8x2048xf32, #tpu.memory_space<vmem>> -> memref<8x2048xf32, #tpu.memory_space<vmem>>
      %dma_wait3A_788 = tpu.memref_slice %arg5[%mul3A_781] : memref<1024xi32, #tpu.memory_space<vmem>> -> memref<8xi32, #tpu.memory_space<vmem>>
      %dma_wait3A_789 = arith.constant 0 : i32
      %dma_wait3A_790 = arith.constant 0 : i32
      %dma_wait3A_791 = tpu.memref_slice %arg3[%dma_wait3A_789, %dma_wait3A_790] : memref<8192x2048xf32, #tpu.memory_space<hbm>> -> memref<8192x2048xf32, #tpu.memory_space<hbm>>
      %dma_wait3A_792 = tpu.memref_slice %arg7[%dma_wait3A_783] : memref<7x!tpu.dma_semaphore, #tpu.memory_space<semaphore_mem>> -> memref<1x!tpu.dma_semaphore, #tpu.memory_space<semaphore_mem>>
      %dma_wait3A_793 = tpu.memref_squeeze %dma_wait3A_792 : memref<1x!tpu.dma_semaphore, #tpu.memory_space<semaphore_mem>> -> memref<!tpu.dma_semaphore, #tpu.memory_space<semaphore_mem>>
      tpu.wait_indirect_dma semaphore(%dma_wait3A_793 : memref<!tpu.dma_semaphore, #tpu.memory_space<semaphore_mem>>) src(%dma_wait3A_791 : memref<8192x2048xf32, #tpu.memory_space<hbm>>) dst(%dma_wait3A_787 : memref<8x2048xf32, #tpu.memory_space<vmem>>)
      %mul3A_794 = arith.constant 8 : i32
      %mul3A_795 = arith.muli %add3A_779, %mul3A_794 : i32
      %add3A_796 = arith.addi %mul3A_2, %mul3A_795 : i32
      %dma_start3A_797 = arith.constant 3 : i32
      %dma_start3A_798 = arith.constant 3 : i32
      %dma_start3A_799 = arith.constant 0 : i32
      %dma_start3A_800 = arith.constant 0 : i32
      %dma_start3A_801 = tpu.memref_slice %arg6[%dma_start3A_797, %dma_start3A_799, %dma_start3A_800] : memref<7x8x2048xf32, #tpu.memory_space<vmem>> -> memref<1x8x2048xf32, #tpu.memory_space<vmem>>
      %dma_start3A_802 = tpu.memref_squeeze %dma_start3A_801 : memref<1x8x2048xf32, #tpu.memory_space<vmem>> -> memref<8x2048xf32, #tpu.memory_space<vmem>>
      %dma_start3A_803 = arith.constant 0 : i32
      %dma_start3A_804 = tpu.memref_slice %arg4[%add3A_796, %dma_start3A_803] : memref<32768x2048xf32, #tpu.memory_space<hbm>> -> memref<8x2048xf32, #tpu.memory_space<hbm>>
      %dma_start3A_805 = tpu.memref_slice %arg8[%dma_start3A_798] : memref<7x!tpu.dma_semaphore, #tpu.memory_space<semaphore_mem>> -> memref<1x!tpu.dma_semaphore, #tpu.memory_space<semaphore_mem>>
      %dma_start3A_806 = tpu.memref_squeeze %dma_start3A_805 : memref<1x!tpu.dma_semaphore, #tpu.memory_space<semaphore_mem>> -> memref<!tpu.dma_semaphore, #tpu.memory_space<semaphore_mem>>
      %dma_start3A_807 = arith.constant 0 : i32
      %dma_start3A_808 = tpu.memref_slice %arg4[%add3A_796, %dma_start3A_807] : memref<32768x2048xf32, #tpu.memory_space<hbm>> -> memref<8x2048xf32, #tpu.memory_space<hbm>>
      %dma_start3A_809 = arith.constant 0 : i32
      %dma_start3A_810 = arith.constant 0 : i32
      %dma_start3A_811 = tpu.memref_slice %arg6[%dma_start3A_797, %dma_start3A_809, %dma_start3A_810] : memref<7x8x2048xf32, #tpu.memory_space<vmem>> -> memref<1x8x2048xf32, #tpu.memory_space<vmem>>
      %dma_start3A_812 = tpu.memref_squeeze %dma_start3A_811 : memref<1x8x2048xf32, #tpu.memory_space<vmem>> -> memref<8x2048xf32, #tpu.memory_space<vmem>>
      tpu.enqueue_dma source(%dma_start3A_812 : memref<8x2048xf32, #tpu.memory_space<vmem>>) target(%dma_start3A_808 : memref<8x2048xf32, #tpu.memory_space<hbm>>) target_semaphore(%dma_start3A_806 : memref<!tpu.dma_semaphore, #tpu.memory_space<semaphore_mem>>)
      %mul3A_813 = arith.constant 8 : i32
      %mul3A_814 = arith.muli %add3A_779, %mul3A_813 : i32
      %add3A_815 = arith.addi %mul3A_2, %mul3A_814 : i32
      %dma_wait3A_816 = arith.constant 3 : i32
      %dma_wait3A_817 = arith.constant 3 : i32
      %dma_wait3A_818 = arith.constant 0 : i32
      %dma_wait3A_819 = arith.constant 0 : i32
      %dma_wait3A_820 = tpu.memref_slice %arg6[%dma_wait3A_816, %dma_wait3A_818, %dma_wait3A_819] : memref<7x8x2048xf32, #tpu.memory_space<vmem>> -> memref<1x8x2048xf32, #tpu.memory_space<vmem>>
      %dma_wait3A_821 = tpu.memref_squeeze %dma_wait3A_820 : memref<1x8x2048xf32, #tpu.memory_space<vmem>> -> memref<8x2048xf32, #tpu.memory_space<vmem>>
      %dma_wait3A_822 = arith.constant 0 : i32
      %dma_wait3A_823 = tpu.memref_slice %arg4[%add3A_815, %dma_wait3A_822] : memref<32768x2048xf32, #tpu.memory_space<hbm>> -> memref<8x2048xf32, #tpu.memory_space<hbm>>
      %dma_wait3A_824 = tpu.memref_slice %arg8[%dma_wait3A_817] : memref<7x!tpu.dma_semaphore, #tpu.memory_space<semaphore_mem>> -> memref<1x!tpu.dma_semaphore, #tpu.memory_space<semaphore_mem>>
      %dma_wait3A_825 = tpu.memref_squeeze %dma_wait3A_824 : memref<1x!tpu.dma_semaphore, #tpu.memory_space<semaphore_mem>> -> memref<!tpu.dma_semaphore, #tpu.memory_space<semaphore_mem>>
      %dma_wait3A_826 = arith.constant 0 : i32
      %dma_wait3A_827 = tpu.memref_slice %arg4[%add3A_815, %dma_wait3A_826] : memref<32768x2048xf32, #tpu.memory_space<hbm>> -> memref<8x2048xf32, #tpu.memory_space<hbm>>
      %dma_wait3A_828 = arith.constant 0 : i32
      %dma_wait3A_829 = arith.constant 0 : i32
      %dma_wait3A_830 = tpu.memref_slice %arg6[%dma_wait3A_816, %dma_wait3A_828, %dma_wait3A_829] : memref<7x8x2048xf32, #tpu.memory_space<vmem>> -> memref<1x8x2048xf32, #tpu.memory_space<vmem>>
      %dma_wait3A_831 = tpu.memref_squeeze %dma_wait3A_830 : memref<1x8x2048xf32, #tpu.memory_space<vmem>> -> memref<8x2048xf32, #tpu.memory_space<vmem>>
      tpu.wait_dma2 semaphore(%dma_wait3A_825 : memref<!tpu.dma_semaphore, #tpu.memory_space<semaphore_mem>>) src(%dma_wait3A_831 : memref<8x2048xf32, #tpu.memory_space<vmem>>) dst(%dma_wait3A_827 : memref<8x2048xf32, #tpu.memory_space<hbm>>)
      %add3A_832 = arith.constant 7 : i32
      %add3A_833 = arith.addi %add3A_779, %add3A_832 : i32
      %mul3A_834 = arith.constant 8 : i32
      %mul3A_835 = arith.muli %add3A_833, %mul3A_834 : i32
      %dma_start3A_836 = arith.constant 3 : i32
      %dma_start3A_837 = arith.constant 3 : i32
      %dma_start3A_838 = arith.constant 0 : i32
      %dma_start3A_839 = arith.constant 0 : i32
      %dma_start3A_840 = tpu.memref_slice %arg6[%dma_start3A_836, %dma_start3A_838, %dma_start3A_839] : memref<7x8x2048xf32, #tpu.memory_space<vmem>> -> memref<1x8x2048xf32, #tpu.memory_space<vmem>>
      %dma_start3A_841 = tpu.memref_squeeze %dma_start3A_840 : memref<1x8x2048xf32, #tpu.memory_space<vmem>> -> memref<8x2048xf32, #tpu.memory_space<vmem>>
      %dma_start3A_842 = tpu.memref_slice %arg5[%mul3A_835] : memref<1024xi32, #tpu.memory_space<vmem>> -> memref<8xi32, #tpu.memory_space<vmem>>
      %dma_start3A_843 = arith.constant 0 : i32
      %dma_start3A_844 = arith.constant 0 : i32
      %dma_start3A_845 = tpu.memref_slice %arg3[%dma_start3A_843, %dma_start3A_844] : memref<8192x2048xf32, #tpu.memory_space<hbm>> -> memref<8192x2048xf32, #tpu.memory_space<hbm>>
      %dma_start3A_846 = tpu.memref_slice %arg7[%dma_start3A_837] : memref<7x!tpu.dma_semaphore, #tpu.memory_space<semaphore_mem>> -> memref<1x!tpu.dma_semaphore, #tpu.memory_space<semaphore_mem>>
      %dma_start3A_847 = tpu.memref_squeeze %dma_start3A_846 : memref<1x!tpu.dma_semaphore, #tpu.memory_space<semaphore_mem>> -> memref<!tpu.dma_semaphore, #tpu.memory_space<semaphore_mem>>
      tpu.enqueue_indirect_dma source(%dma_start3A_845 : memref<8192x2048xf32, #tpu.memory_space<hbm>>) target(%dma_start3A_841 : memref<8x2048xf32, #tpu.memory_space<vmem>>) offsets(%dma_start3A_842 : memref<8xi32, #tpu.memory_space<vmem>>) semaphore(%dma_start3A_847 : memref<!tpu.dma_semaphore, #tpu.memory_space<semaphore_mem>>)
      %add3A_848 = arith.constant 4 : i32
      %add3A_849 = arith.addi %add3A_567, %add3A_848 : i32
      %mul3A_850 = arith.constant 8 : i32
      %mul3A_851 = arith.muli %add3A_849, %mul3A_850 : i32
      %dma_wait3A_852 = arith.constant 4 : i32
      %dma_wait3A_853 = arith.constant 4 : i32
      %dma_wait3A_854 = arith.constant 0 : i32
      %dma_wait3A_855 = arith.constant 0 : i32
      %dma_wait3A_856 = tpu.memref_slice %arg6[%dma_wait3A_852, %dma_wait3A_854, %dma_wait3A_855] : memref<7x8x2048xf32, #tpu.memory_space<vmem>> -> memref<1x8x2048xf32, #tpu.memory_space<vmem>>
      %dma_wait3A_857 = tpu.memref_squeeze %dma_wait3A_856 : memref<1x8x2048xf32, #tpu.memory_space<vmem>> -> memref<8x2048xf32, #tpu.memory_space<vmem>>
      %dma_wait3A_858 = tpu.memref_slice %arg5[%mul3A_851] : memref<1024xi32, #tpu.memory_space<vmem>> -> memref<8xi32, #tpu.memory_space<vmem>>
      %dma_wait3A_859 = arith.constant 0 : i32
      %dma_wait3A_860 = arith.constant 0 : i32
      %dma_wait3A_861 = tpu.memref_slice %arg3[%dma_wait3A_859, %dma_wait3A_860] : memref<8192x2048xf32, #tpu.memory_space<hbm>> -> memref<8192x2048xf32, #tpu.memory_space<hbm>>
      %dma_wait3A_862 = tpu.memref_slice %arg7[%dma_wait3A_853] : memref<7x!tpu.dma_semaphore, #tpu.memory_space<semaphore_mem>> -> memref<1x!tpu.dma_semaphore, #tpu.memory_space<semaphore_mem>>
      %dma_wait3A_863 = tpu.memref_squeeze %dma_wait3A_862 : memref<1x!tpu.dma_semaphore, #tpu.memory_space<semaphore_mem>> -> memref<!tpu.dma_semaphore, #tpu.memory_space<semaphore_mem>>
      tpu.wait_indirect_dma semaphore(%dma_wait3A_863 : memref<!tpu.dma_semaphore, #tpu.memory_space<semaphore_mem>>) src(%dma_wait3A_861 : memref<8192x2048xf32, #tpu.memory_space<hbm>>) dst(%dma_wait3A_857 : memref<8x2048xf32, #tpu.memory_space<vmem>>)
      %mul3A_864 = arith.constant 8 : i32
      %mul3A_865 = arith.muli %add3A_849, %mul3A_864 : i32
      %add3A_866 = arith.addi %mul3A_2, %mul3A_865 : i32
      %dma_start3A_867 = arith.constant 4 : i32
      %dma_start3A_868 = arith.constant 4 : i32
      %dma_start3A_869 = arith.constant 0 : i32
      %dma_start3A_870 = arith.constant 0 : i32
      %dma_start3A_871 = tpu.memref_slice %arg6[%dma_start3A_867, %dma_start3A_869, %dma_start3A_870] : memref<7x8x2048xf32, #tpu.memory_space<vmem>> -> memref<1x8x2048xf32, #tpu.memory_space<vmem>>
      %dma_start3A_872 = tpu.memref_squeeze %dma_start3A_871 : memref<1x8x2048xf32, #tpu.memory_space<vmem>> -> memref<8x2048xf32, #tpu.memory_space<vmem>>
      %dma_start3A_873 = arith.constant 0 : i32
      %dma_start3A_874 = tpu.memref_slice %arg4[%add3A_866, %dma_start3A_873] : memref<32768x2048xf32, #tpu.memory_space<hbm>> -> memref<8x2048xf32, #tpu.memory_space<hbm>>
      %dma_start3A_875 = tpu.memref_slice %arg8[%dma_start3A_868] : memref<7x!tpu.dma_semaphore, #tpu.memory_space<semaphore_mem>> -> memref<1x!tpu.dma_semaphore, #tpu.memory_space<semaphore_mem>>
      %dma_start3A_876 = tpu.memref_squeeze %dma_start3A_875 : memref<1x!tpu.dma_semaphore, #tpu.memory_space<semaphore_mem>> -> memref<!tpu.dma_semaphore, #tpu.memory_space<semaphore_mem>>
      %dma_start3A_877 = arith.constant 0 : i32
      %dma_start3A_878 = tpu.memref_slice %arg4[%add3A_866, %dma_start3A_877] : memref<32768x2048xf32, #tpu.memory_space<hbm>> -> memref<8x2048xf32, #tpu.memory_space<hbm>>
      %dma_start3A_879 = arith.constant 0 : i32
      %dma_start3A_880 = arith.constant 0 : i32
      %dma_start3A_881 = tpu.memref_slice %arg6[%dma_start3A_867, %dma_start3A_879, %dma_start3A_880] : memref<7x8x2048xf32, #tpu.memory_space<vmem>> -> memref<1x8x2048xf32, #tpu.memory_space<vmem>>
      %dma_start3A_882 = tpu.memref_squeeze %dma_start3A_881 : memref<1x8x2048xf32, #tpu.memory_space<vmem>> -> memref<8x2048xf32, #tpu.memory_space<vmem>>
      tpu.enqueue_dma source(%dma_start3A_882 : memref<8x2048xf32, #tpu.memory_space<vmem>>) target(%dma_start3A_878 : memref<8x2048xf32, #tpu.memory_space<hbm>>) target_semaphore(%dma_start3A_876 : memref<!tpu.dma_semaphore, #tpu.memory_space<semaphore_mem>>)
      %mul3A_883 = arith.constant 8 : i32
      %mul3A_884 = arith.muli %add3A_849, %mul3A_883 : i32
      %add3A_885 = arith.addi %mul3A_2, %mul3A_884 : i32
      %dma_wait3A_886 = arith.constant 4 : i32
      %dma_wait3A_887 = arith.constant 4 : i32
      %dma_wait3A_888 = arith.constant 0 : i32
      %dma_wait3A_889 = arith.constant 0 : i32
      %dma_wait3A_890 = tpu.memref_slice %arg6[%dma_wait3A_886, %dma_wait3A_888, %dma_wait3A_889] : memref<7x8x2048xf32, #tpu.memory_space<vmem>> -> memref<1x8x2048xf32, #tpu.memory_space<vmem>>
      %dma_wait3A_891 = tpu.memref_squeeze %dma_wait3A_890 : memref<1x8x2048xf32, #tpu.memory_space<vmem>> -> memref<8x2048xf32, #tpu.memory_space<vmem>>
      %dma_wait3A_892 = arith.constant 0 : i32
      %dma_wait3A_893 = tpu.memref_slice %arg4[%add3A_885, %dma_wait3A_892] : memref<32768x2048xf32, #tpu.memory_space<hbm>> -> memref<8x2048xf32, #tpu.memory_space<hbm>>
      %dma_wait3A_894 = tpu.memref_slice %arg8[%dma_wait3A_887] : memref<7x!tpu.dma_semaphore, #tpu.memory_space<semaphore_mem>> -> memref<1x!tpu.dma_semaphore, #tpu.memory_space<semaphore_mem>>
      %dma_wait3A_895 = tpu.memref_squeeze %dma_wait3A_894 : memref<1x!tpu.dma_semaphore, #tpu.memory_space<semaphore_mem>> -> memref<!tpu.dma_semaphore, #tpu.memory_space<semaphore_mem>>
      %dma_wait3A_896 = arith.constant 0 : i32
      %dma_wait3A_897 = tpu.memref_slice %arg4[%add3A_885, %dma_wait3A_896] : memref<32768x2048xf32, #tpu.memory_space<hbm>> -> memref<8x2048xf32, #tpu.memory_space<hbm>>
      %dma_wait3A_898 = arith.constant 0 : i32
      %dma_wait3A_899 = arith.constant 0 : i32
      %dma_wait3A_900 = tpu.memref_slice %arg6[%dma_wait3A_886, %dma_wait3A_898, %dma_wait3A_899] : memref<7x8x2048xf32, #tpu.memory_space<vmem>> -> memref<1x8x2048xf32, #tpu.memory_space<vmem>>
      %dma_wait3A_901 = tpu.memref_squeeze %dma_wait3A_900 : memref<1x8x2048xf32, #tpu.memory_space<vmem>> -> memref<8x2048xf32, #tpu.memory_space<vmem>>
      tpu.wait_dma2 semaphore(%dma_wait3A_895 : memref<!tpu.dma_semaphore, #tpu.memory_space<semaphore_mem>>) src(%dma_wait3A_901 : memref<8x2048xf32, #tpu.memory_space<vmem>>) dst(%dma_wait3A_897 : memref<8x2048xf32, #tpu.memory_space<hbm>>)
      %add3A_902 = arith.constant 7 : i32
      %add3A_903 = arith.addi %add3A_849, %add3A_902 : i32
      %mul3A_904 = arith.constant 8 : i32
      %mul3A_905 = arith.muli %add3A_903, %mul3A_904 : i32
      %dma_start3A_906 = arith.constant 4 : i32
      %dma_start3A_907 = arith.constant 4 : i32
      %dma_start3A_908 = arith.constant 0 : i32
      %dma_start3A_909 = arith.constant 0 : i32
      %dma_start3A_910 = tpu.memref_slice %arg6[%dma_start3A_906, %dma_start3A_908, %dma_start3A_909] : memref<7x8x2048xf32, #tpu.memory_space<vmem>> -> memref<1x8x2048xf32, #tpu.memory_space<vmem>>
      %dma_start3A_911 = tpu.memref_squeeze %dma_start3A_910 : memref<1x8x2048xf32, #tpu.memory_space<vmem>> -> memref<8x2048xf32, #tpu.memory_space<vmem>>
      %dma_start3A_912 = tpu.memref_slice %arg5[%mul3A_905] : memref<1024xi32, #tpu.memory_space<vmem>> -> memref<8xi32, #tpu.memory_space<vmem>>
      %dma_start3A_913 = arith.constant 0 : i32
      %dma_start3A_914 = arith.constant 0 : i32
      %dma_start3A_915 = tpu.memref_slice %arg3[%dma_start3A_913, %dma_start3A_914] : memref<8192x2048xf32, #tpu.memory_space<hbm>> -> memref<8192x2048xf32, #tpu.memory_space<hbm>>
      %dma_start3A_916 = tpu.memref_slice %arg7[%dma_start3A_907] : memref<7x!tpu.dma_semaphore, #tpu.memory_space<semaphore_mem>> -> memref<1x!tpu.dma_semaphore, #tpu.memory_space<semaphore_mem>>
      %dma_start3A_917 = tpu.memref_squeeze %dma_start3A_916 : memref<1x!tpu.dma_semaphore, #tpu.memory_space<semaphore_mem>> -> memref<!tpu.dma_semaphore, #tpu.memory_space<semaphore_mem>>
      tpu.enqueue_indirect_dma source(%dma_start3A_915 : memref<8192x2048xf32, #tpu.memory_space<hbm>>) target(%dma_start3A_911 : memref<8x2048xf32, #tpu.memory_space<vmem>>) offsets(%dma_start3A_912 : memref<8xi32, #tpu.memory_space<vmem>>) semaphore(%dma_start3A_917 : memref<!tpu.dma_semaphore, #tpu.memory_space<semaphore_mem>>)
      %add3A_918 = arith.constant 5 : i32
      %add3A_919 = arith.addi %add3A_567, %add3A_918 : i32
      %mul3A_920 = arith.constant 8 : i32
      %mul3A_921 = arith.muli %add3A_919, %mul3A_920 : i32
      %dma_wait3A_922 = arith.constant 5 : i32
      %dma_wait3A_923 = arith.constant 5 : i32
      %dma_wait3A_924 = arith.constant 0 : i32
      %dma_wait3A_925 = arith.constant 0 : i32
      %dma_wait3A_926 = tpu.memref_slice %arg6[%dma_wait3A_922, %dma_wait3A_924, %dma_wait3A_925] : memref<7x8x2048xf32, #tpu.memory_space<vmem>> -> memref<1x8x2048xf32, #tpu.memory_space<vmem>>
      %dma_wait3A_927 = tpu.memref_squeeze %dma_wait3A_926 : memref<1x8x2048xf32, #tpu.memory_space<vmem>> -> memref<8x2048xf32, #tpu.memory_space<vmem>>
      %dma_wait3A_928 = tpu.memref_slice %arg5[%mul3A_921] : memref<1024xi32, #tpu.memory_space<vmem>> -> memref<8xi32, #tpu.memory_space<vmem>>
      %dma_wait3A_929 = arith.constant 0 : i32
      %dma_wait3A_930 = arith.constant 0 : i32
      %dma_wait3A_931 = tpu.memref_slice %arg3[%dma_wait3A_929, %dma_wait3A_930] : memref<8192x2048xf32, #tpu.memory_space<hbm>> -> memref<8192x2048xf32, #tpu.memory_space<hbm>>
      %dma_wait3A_932 = tpu.memref_slice %arg7[%dma_wait3A_923] : memref<7x!tpu.dma_semaphore, #tpu.memory_space<semaphore_mem>> -> memref<1x!tpu.dma_semaphore, #tpu.memory_space<semaphore_mem>>
      %dma_wait3A_933 = tpu.memref_squeeze %dma_wait3A_932 : memref<1x!tpu.dma_semaphore, #tpu.memory_space<semaphore_mem>> -> memref<!tpu.dma_semaphore, #tpu.memory_space<semaphore_mem>>
      tpu.wait_indirect_dma semaphore(%dma_wait3A_933 : memref<!tpu.dma_semaphore, #tpu.memory_space<semaphore_mem>>) src(%dma_wait3A_931 : memref<8192x2048xf32, #tpu.memory_space<hbm>>) dst(%dma_wait3A_927 : memref<8x2048xf32, #tpu.memory_space<vmem>>)
      %mul3A_934 = arith.constant 8 : i32
      %mul3A_935 = arith.muli %add3A_919, %mul3A_934 : i32
      %add3A_936 = arith.addi %mul3A_2, %mul3A_935 : i32
      %dma_start3A_937 = arith.constant 5 : i32
      %dma_start3A_938 = arith.constant 5 : i32
      %dma_start3A_939 = arith.constant 0 : i32
      %dma_start3A_940 = arith.constant 0 : i32
      %dma_start3A_941 = tpu.memref_slice %arg6[%dma_start3A_937, %dma_start3A_939, %dma_start3A_940] : memref<7x8x2048xf32, #tpu.memory_space<vmem>> -> memref<1x8x2048xf32, #tpu.memory_space<vmem>>
      %dma_start3A_942 = tpu.memref_squeeze %dma_start3A_941 : memref<1x8x2048xf32, #tpu.memory_space<vmem>> -> memref<8x2048xf32, #tpu.memory_space<vmem>>
      %dma_start3A_943 = arith.constant 0 : i32
      %dma_start3A_944 = tpu.memref_slice %arg4[%add3A_936, %dma_start3A_943] : memref<32768x2048xf32, #tpu.memory_space<hbm>> -> memref<8x2048xf32, #tpu.memory_space<hbm>>
      %dma_start3A_945 = tpu.memref_slice %arg8[%dma_start3A_938] : memref<7x!tpu.dma_semaphore, #tpu.memory_space<semaphore_mem>> -> memref<1x!tpu.dma_semaphore, #tpu.memory_space<semaphore_mem>>
      %dma_start3A_946 = tpu.memref_squeeze %dma_start3A_945 : memref<1x!tpu.dma_semaphore, #tpu.memory_space<semaphore_mem>> -> memref<!tpu.dma_semaphore, #tpu.memory_space<semaphore_mem>>
      %dma_start3A_947 = arith.constant 0 : i32
      %dma_start3A_948 = tpu.memref_slice %arg4[%add3A_936, %dma_start3A_947] : memref<32768x2048xf32, #tpu.memory_space<hbm>> -> memref<8x2048xf32, #tpu.memory_space<hbm>>
      %dma_start3A_949 = arith.constant 0 : i32
      %dma_start3A_950 = arith.constant 0 : i32
      %dma_start3A_951 = tpu.memref_slice %arg6[%dma_start3A_937, %dma_start3A_949, %dma_start3A_950] : memref<7x8x2048xf32, #tpu.memory_space<vmem>> -> memref<1x8x2048xf32, #tpu.memory_space<vmem>>
      %dma_start3A_952 = tpu.memref_squeeze %dma_start3A_951 : memref<1x8x2048xf32, #tpu.memory_space<vmem>> -> memref<8x2048xf32, #tpu.memory_space<vmem>>
      tpu.enqueue_dma source(%dma_start3A_952 : memref<8x2048xf32, #tpu.memory_space<vmem>>) target(%dma_start3A_948 : memref<8x2048xf32, #tpu.memory_space<hbm>>) target_semaphore(%dma_start3A_946 : memref<!tpu.dma_semaphore, #tpu.memory_space<semaphore_mem>>)
      %mul3A_953 = arith.constant 8 : i32
      %mul3A_954 = arith.muli %add3A_919, %mul3A_953 : i32
      %add3A_955 = arith.addi %mul3A_2, %mul3A_954 : i32
      %dma_wait3A_956 = arith.constant 5 : i32
      %dma_wait3A_957 = arith.constant 5 : i32
      %dma_wait3A_958 = arith.constant 0 : i32
      %dma_wait3A_959 = arith.constant 0 : i32
      %dma_wait3A_960 = tpu.memref_slice %arg6[%dma_wait3A_956, %dma_wait3A_958, %dma_wait3A_959] : memref<7x8x2048xf32, #tpu.memory_space<vmem>> -> memref<1x8x2048xf32, #tpu.memory_space<vmem>>
      %dma_wait3A_961 = tpu.memref_squeeze %dma_wait3A_960 : memref<1x8x2048xf32, #tpu.memory_space<vmem>> -> memref<8x2048xf32, #tpu.memory_space<vmem>>
      %dma_wait3A_962 = arith.constant 0 : i32
      %dma_wait3A_963 = tpu.memref_slice %arg4[%add3A_955, %dma_wait3A_962] : memref<32768x2048xf32, #tpu.memory_space<hbm>> -> memref<8x2048xf32, #tpu.memory_space<hbm>>
      %dma_wait3A_964 = tpu.memref_slice %arg8[%dma_wait3A_957] : memref<7x!tpu.dma_semaphore, #tpu.memory_space<semaphore_mem>> -> memref<1x!tpu.dma_semaphore, #tpu.memory_space<semaphore_mem>>
      %dma_wait3A_965 = tpu.memref_squeeze %dma_wait3A_964 : memref<1x!tpu.dma_semaphore, #tpu.memory_space<semaphore_mem>> -> memref<!tpu.dma_semaphore, #tpu.memory_space<semaphore_mem>>
      %dma_wait3A_966 = arith.constant 0 : i32
      %dma_wait3A_967 = tpu.memref_slice %arg4[%add3A_955, %dma_wait3A_966] : memref<32768x2048xf32, #tpu.memory_space<hbm>> -> memref<8x2048xf32, #tpu.memory_space<hbm>>
      %dma_wait3A_968 = arith.constant 0 : i32
      %dma_wait3A_969 = arith.constant 0 : i32
      %dma_wait3A_970 = tpu.memref_slice %arg6[%dma_wait3A_956, %dma_wait3A_968, %dma_wait3A_969] : memref<7x8x2048xf32, #tpu.memory_space<vmem>> -> memref<1x8x2048xf32, #tpu.memory_space<vmem>>
      %dma_wait3A_971 = tpu.memref_squeeze %dma_wait3A_970 : memref<1x8x2048xf32, #tpu.memory_space<vmem>> -> memref<8x2048xf32, #tpu.memory_space<vmem>>
      tpu.wait_dma2 semaphore(%dma_wait3A_965 : memref<!tpu.dma_semaphore, #tpu.memory_space<semaphore_mem>>) src(%dma_wait3A_971 : memref<8x2048xf32, #tpu.memory_space<vmem>>) dst(%dma_wait3A_967 : memref<8x2048xf32, #tpu.memory_space<hbm>>)
      %add3A_972 = arith.constant 7 : i32
      %add3A_973 = arith.addi %add3A_919, %add3A_972 : i32
      %mul3A_974 = arith.constant 8 : i32
      %mul3A_975 = arith.muli %add3A_973, %mul3A_974 : i32
      %dma_start3A_976 = arith.constant 5 : i32
      %dma_start3A_977 = arith.constant 5 : i32
      %dma_start3A_978 = arith.constant 0 : i32
      %dma_start3A_979 = arith.constant 0 : i32
      %dma_start3A_980 = tpu.memref_slice %arg6[%dma_start3A_976, %dma_start3A_978, %dma_start3A_979] : memref<7x8x2048xf32, #tpu.memory_space<vmem>> -> memref<1x8x2048xf32, #tpu.memory_space<vmem>>
      %dma_start3A_981 = tpu.memref_squeeze %dma_start3A_980 : memref<1x8x2048xf32, #tpu.memory_space<vmem>> -> memref<8x2048xf32, #tpu.memory_space<vmem>>
      %dma_start3A_982 = tpu.memref_slice %arg5[%mul3A_975] : memref<1024xi32, #tpu.memory_space<vmem>> -> memref<8xi32, #tpu.memory_space<vmem>>
      %dma_start3A_983 = arith.constant 0 : i32
      %dma_start3A_984 = arith.constant 0 : i32
      %dma_start3A_985 = tpu.memref_slice %arg3[%dma_start3A_983, %dma_start3A_984] : memref<8192x2048xf32, #tpu.memory_space<hbm>> -> memref<8192x2048xf32, #tpu.memory_space<hbm>>
      %dma_start3A_986 = tpu.memref_slice %arg7[%dma_start3A_977] : memref<7x!tpu.dma_semaphore, #tpu.memory_space<semaphore_mem>> -> memref<1x!tpu.dma_semaphore, #tpu.memory_space<semaphore_mem>>
      %dma_start3A_987 = tpu.memref_squeeze %dma_start3A_986 : memref<1x!tpu.dma_semaphore, #tpu.memory_space<semaphore_mem>> -> memref<!tpu.dma_semaphore, #tpu.memory_space<semaphore_mem>>
      tpu.enqueue_indirect_dma source(%dma_start3A_985 : memref<8192x2048xf32, #tpu.memory_space<hbm>>) target(%dma_start3A_981 : memref<8x2048xf32, #tpu.memory_space<vmem>>) offsets(%dma_start3A_982 : memref<8xi32, #tpu.memory_space<vmem>>) semaphore(%dma_start3A_987 : memref<!tpu.dma_semaphore, #tpu.memory_space<semaphore_mem>>)
      %add3A_988 = arith.constant 6 : i32
      %add3A_989 = arith.addi %add3A_567, %add3A_988 : i32
      %mul3A_990 = arith.constant 8 : i32
      %mul3A_991 = arith.muli %add3A_989, %mul3A_990 : i32
      %dma_wait3A_992 = arith.constant 6 : i32
      %dma_wait3A_993 = arith.constant 6 : i32
      %dma_wait3A_994 = arith.constant 0 : i32
      %dma_wait3A_995 = arith.constant 0 : i32
      %dma_wait3A_996 = tpu.memref_slice %arg6[%dma_wait3A_992, %dma_wait3A_994, %dma_wait3A_995] : memref<7x8x2048xf32, #tpu.memory_space<vmem>> -> memref<1x8x2048xf32, #tpu.memory_space<vmem>>
      %dma_wait3A_997 = tpu.memref_squeeze %dma_wait3A_996 : memref<1x8x2048xf32, #tpu.memory_space<vmem>> -> memref<8x2048xf32, #tpu.memory_space<vmem>>
      %dma_wait3A_998 = tpu.memref_slice %arg5[%mul3A_991] : memref<1024xi32, #tpu.memory_space<vmem>> -> memref<8xi32, #tpu.memory_space<vmem>>
      %dma_wait3A_999 = arith.constant 0 : i32
      %dma_wait3A_1000 = arith.constant 0 : i32
      %dma_wait3A_1001 = tpu.memref_slice %arg3[%dma_wait3A_999, %dma_wait3A_1000] : memref<8192x2048xf32, #tpu.memory_space<hbm>> -> memref<8192x2048xf32, #tpu.memory_space<hbm>>
      %dma_wait3A_1002 = tpu.memref_slice %arg7[%dma_wait3A_993] : memref<7x!tpu.dma_semaphore, #tpu.memory_space<semaphore_mem>> -> memref<1x!tpu.dma_semaphore, #tpu.memory_space<semaphore_mem>>
      %dma_wait3A_1003 = tpu.memref_squeeze %dma_wait3A_1002 : memref<1x!tpu.dma_semaphore, #tpu.memory_space<semaphore_mem>> -> memref<!tpu.dma_semaphore, #tpu.memory_space<semaphore_mem>>
      tpu.wait_indirect_dma semaphore(%dma_wait3A_1003 : memref<!tpu.dma_semaphore, #tpu.memory_space<semaphore_mem>>) src(%dma_wait3A_1001 : memref<8192x2048xf32, #tpu.memory_space<hbm>>) dst(%dma_wait3A_997 : memref<8x2048xf32, #tpu.memory_space<vmem>>)
      %mul3A_1004 = arith.constant 8 : i32
      %mul3A_1005 = arith.muli %add3A_989, %mul3A_1004 : i32
      %add3A_1006 = arith.addi %mul3A_2, %mul3A_1005 : i32
      %dma_start3A_1007 = arith.constant 6 : i32
      %dma_start3A_1008 = arith.constant 6 : i32
      %dma_start3A_1009 = arith.constant 0 : i32
      %dma_start3A_1010 = arith.constant 0 : i32
      %dma_start3A_1011 = tpu.memref_slice %arg6[%dma_start3A_1007, %dma_start3A_1009, %dma_start3A_1010] : memref<7x8x2048xf32, #tpu.memory_space<vmem>> -> memref<1x8x2048xf32, #tpu.memory_space<vmem>>
      %dma_start3A_1012 = tpu.memref_squeeze %dma_start3A_1011 : memref<1x8x2048xf32, #tpu.memory_space<vmem>> -> memref<8x2048xf32, #tpu.memory_space<vmem>>
      %dma_start3A_1013 = arith.constant 0 : i32
      %dma_start3A_1014 = tpu.memref_slice %arg4[%add3A_1006, %dma_start3A_1013] : memref<32768x2048xf32, #tpu.memory_space<hbm>> -> memref<8x2048xf32, #tpu.memory_space<hbm>>
      %dma_start3A_1015 = tpu.memref_slice %arg8[%dma_start3A_1008] : memref<7x!tpu.dma_semaphore, #tpu.memory_space<semaphore_mem>> -> memref<1x!tpu.dma_semaphore, #tpu.memory_space<semaphore_mem>>
      %dma_start3A_1016 = tpu.memref_squeeze %dma_start3A_1015 : memref<1x!tpu.dma_semaphore, #tpu.memory_space<semaphore_mem>> -> memref<!tpu.dma_semaphore, #tpu.memory_space<semaphore_mem>>
      %dma_start3A_1017 = arith.constant 0 : i32
      %dma_start3A_1018 = tpu.memref_slice %arg4[%add3A_1006, %dma_start3A_1017] : memref<32768x2048xf32, #tpu.memory_space<hbm>> -> memref<8x2048xf32, #tpu.memory_space<hbm>>
      %dma_start3A_1019 = arith.constant 0 : i32
      %dma_start3A_1020 = arith.constant 0 : i32
      %dma_start3A_1021 = tpu.memref_slice %arg6[%dma_start3A_1007, %dma_start3A_1019, %dma_start3A_1020] : memref<7x8x2048xf32, #tpu.memory_space<vmem>> -> memref<1x8x2048xf32, #tpu.memory_space<vmem>>
      %dma_start3A_1022 = tpu.memref_squeeze %dma_start3A_1021 : memref<1x8x2048xf32, #tpu.memory_space<vmem>> -> memref<8x2048xf32, #tpu.memory_space<vmem>>
      tpu.enqueue_dma source(%dma_start3A_1022 : memref<8x2048xf32, #tpu.memory_space<vmem>>) target(%dma_start3A_1018 : memref<8x2048xf32, #tpu.memory_space<hbm>>) target_semaphore(%dma_start3A_1016 : memref<!tpu.dma_semaphore, #tpu.memory_space<semaphore_mem>>)
      %mul3A_1023 = arith.constant 8 : i32
      %mul3A_1024 = arith.muli %add3A_989, %mul3A_1023 : i32
      %add3A_1025 = arith.addi %mul3A_2, %mul3A_1024 : i32
      %dma_wait3A_1026 = arith.constant 6 : i32
      %dma_wait3A_1027 = arith.constant 6 : i32
      %dma_wait3A_1028 = arith.constant 0 : i32
      %dma_wait3A_1029 = arith.constant 0 : i32
      %dma_wait3A_1030 = tpu.memref_slice %arg6[%dma_wait3A_1026, %dma_wait3A_1028, %dma_wait3A_1029] : memref<7x8x2048xf32, #tpu.memory_space<vmem>> -> memref<1x8x2048xf32, #tpu.memory_space<vmem>>
      %dma_wait3A_1031 = tpu.memref_squeeze %dma_wait3A_1030 : memref<1x8x2048xf32, #tpu.memory_space<vmem>> -> memref<8x2048xf32, #tpu.memory_space<vmem>>
      %dma_wait3A_1032 = arith.constant 0 : i32
      %dma_wait3A_1033 = tpu.memref_slice %arg4[%add3A_1025, %dma_wait3A_1032] : memref<32768x2048xf32, #tpu.memory_space<hbm>> -> memref<8x2048xf32, #tpu.memory_space<hbm>>
      %dma_wait3A_1034 = tpu.memref_slice %arg8[%dma_wait3A_1027] : memref<7x!tpu.dma_semaphore, #tpu.memory_space<semaphore_mem>> -> memref<1x!tpu.dma_semaphore, #tpu.memory_space<semaphore_mem>>
      %dma_wait3A_1035 = tpu.memref_squeeze %dma_wait3A_1034 : memref<1x!tpu.dma_semaphore, #tpu.memory_space<semaphore_mem>> -> memref<!tpu.dma_semaphore, #tpu.memory_space<semaphore_mem>>
      %dma_wait3A_1036 = arith.constant 0 : i32
      %dma_wait3A_1037 = tpu.memref_slice %arg4[%add3A_1025, %dma_wait3A_1036] : memref<32768x2048xf32, #tpu.memory_space<hbm>> -> memref<8x2048xf32, #tpu.memory_space<hbm>>
      %dma_wait3A_1038 = arith.constant 0 : i32
      %dma_wait3A_1039 = arith.constant 0 : i32
      %dma_wait3A_1040 = tpu.memref_slice %arg6[%dma_wait3A_1026, %dma_wait3A_1038, %dma_wait3A_1039] : memref<7x8x2048xf32, #tpu.memory_space<vmem>> -> memref<1x8x2048xf32, #tpu.memory_space<vmem>>
      %dma_wait3A_1041 = tpu.memref_squeeze %dma_wait3A_1040 : memref<1x8x2048xf32, #tpu.memory_space<vmem>> -> memref<8x2048xf32, #tpu.memory_space<vmem>>
      tpu.wait_dma2 semaphore(%dma_wait3A_1035 : memref<!tpu.dma_semaphore, #tpu.memory_space<semaphore_mem>>) src(%dma_wait3A_1041 : memref<8x2048xf32, #tpu.memory_space<vmem>>) dst(%dma_wait3A_1037 : memref<8x2048xf32, #tpu.memory_space<hbm>>)
      %add3A_1042 = arith.constant 7 : i32
      %add3A_1043 = arith.addi %add3A_989, %add3A_1042 : i32
      %mul3A_1044 = arith.constant 8 : i32
      %mul3A_1045 = arith.muli %add3A_1043, %mul3A_1044 : i32
      %dma_start3A_1046 = arith.constant 6 : i32
      %dma_start3A_1047 = arith.constant 6 : i32
      %dma_start3A_1048 = arith.constant 0 : i32
      %dma_start3A_1049 = arith.constant 0 : i32
      %dma_start3A_1050 = tpu.memref_slice %arg6[%dma_start3A_1046, %dma_start3A_1048, %dma_start3A_1049] : memref<7x8x2048xf32, #tpu.memory_space<vmem>> -> memref<1x8x2048xf32, #tpu.memory_space<vmem>>
      %dma_start3A_1051 = tpu.memref_squeeze %dma_start3A_1050 : memref<1x8x2048xf32, #tpu.memory_space<vmem>> -> memref<8x2048xf32, #tpu.memory_space<vmem>>
      %dma_start3A_1052 = tpu.memref_slice %arg5[%mul3A_1045] : memref<1024xi32, #tpu.memory_space<vmem>> -> memref<8xi32, #tpu.memory_space<vmem>>
      %dma_start3A_1053 = arith.constant 0 : i32
      %dma_start3A_1054 = arith.constant 0 : i32
      %dma_start3A_1055 = tpu.memref_slice %arg3[%dma_start3A_1053, %dma_start3A_1054] : memref<8192x2048xf32, #tpu.memory_space<hbm>> -> memref<8192x2048xf32, #tpu.memory_space<hbm>>
      %dma_start3A_1056 = tpu.memref_slice %arg7[%dma_start3A_1047] : memref<7x!tpu.dma_semaphore, #tpu.memory_space<semaphore_mem>> -> memref<1x!tpu.dma_semaphore, #tpu.memory_space<semaphore_mem>>
      %dma_start3A_1057 = tpu.memref_squeeze %dma_start3A_1056 : memref<1x!tpu.dma_semaphore, #tpu.memory_space<semaphore_mem>> -> memref<!tpu.dma_semaphore, #tpu.memory_space<semaphore_mem>>
      tpu.enqueue_indirect_dma source(%dma_start3A_1055 : memref<8192x2048xf32, #tpu.memory_space<hbm>>) target(%dma_start3A_1051 : memref<8x2048xf32, #tpu.memory_space<vmem>>) offsets(%dma_start3A_1052 : memref<8xi32, #tpu.memory_space<vmem>>) semaphore(%dma_start3A_1057 : memref<!tpu.dma_semaphore, #tpu.memory_space<semaphore_mem>>)
    }
    %scan3A_96 = arith.constant 17 : i32
    %dma_wait3A = arith.constant 0 : i32
    %dma_wait3A_97 = arith.constant 0 : i32
    %dma_wait3A_98 = arith.constant 0 : i32
    %dma_wait3A_99 = arith.constant 0 : i32
    %dma_wait3A_100 = tpu.memref_slice %arg6[%dma_wait3A, %dma_wait3A_98, %dma_wait3A_99] : memref<7x8x2048xf32, #tpu.memory_space<vmem>> -> memref<1x8x2048xf32, #tpu.memory_space<vmem>>
    %dma_wait3A_101 = tpu.memref_squeeze %dma_wait3A_100 : memref<1x8x2048xf32, #tpu.memory_space<vmem>> -> memref<8x2048xf32, #tpu.memory_space<vmem>>
    %dma_wait3A_102 = arith.constant 952 : i32
    %dma_wait3A_103 = tpu.memref_slice %arg5[%dma_wait3A_102] : memref<1024xi32, #tpu.memory_space<vmem>> -> memref<8xi32, #tpu.memory_space<vmem>>
    %dma_wait3A_104 = arith.constant 0 : i32
    %dma_wait3A_105 = arith.constant 0 : i32
    %dma_wait3A_106 = tpu.memref_slice %arg3[%dma_wait3A_104, %dma_wait3A_105] : memref<8192x2048xf32, #tpu.memory_space<hbm>> -> memref<8192x2048xf32, #tpu.memory_space<hbm>>
    %dma_wait3A_107 = tpu.memref_slice %arg7[%dma_wait3A_97] : memref<7x!tpu.dma_semaphore, #tpu.memory_space<semaphore_mem>> -> memref<1x!tpu.dma_semaphore, #tpu.memory_space<semaphore_mem>>
    %dma_wait3A_108 = tpu.memref_squeeze %dma_wait3A_107 : memref<1x!tpu.dma_semaphore, #tpu.memory_space<semaphore_mem>> -> memref<!tpu.dma_semaphore, #tpu.memory_space<semaphore_mem>>
    tpu.wait_indirect_dma semaphore(%dma_wait3A_108 : memref<!tpu.dma_semaphore, #tpu.memory_space<semaphore_mem>>) src(%dma_wait3A_106 : memref<8192x2048xf32, #tpu.memory_space<hbm>>) dst(%dma_wait3A_101 : memref<8x2048xf32, #tpu.memory_space<vmem>>)
    %add3A_109 = arith.constant 952 : i32
    %add3A_110 = arith.addi %mul3A_2, %add3A_109 : i32
    %dma_start3A_111 = arith.constant 0 : i32
    %dma_start3A_112 = arith.constant 0 : i32
    %dma_start3A_113 = arith.constant 0 : i32
    %dma_start3A_114 = arith.constant 0 : i32
    %dma_start3A_115 = tpu.memref_slice %arg6[%dma_start3A_111, %dma_start3A_113, %dma_start3A_114] : memref<7x8x2048xf32, #tpu.memory_space<vmem>> -> memref<1x8x2048xf32, #tpu.memory_space<vmem>>
    %dma_start3A_116 = tpu.memref_squeeze %dma_start3A_115 : memref<1x8x2048xf32, #tpu.memory_space<vmem>> -> memref<8x2048xf32, #tpu.memory_space<vmem>>
    %dma_start3A_117 = arith.constant 0 : i32
    %dma_start3A_118 = tpu.memref_slice %arg4[%add3A_110, %dma_start3A_117] : memref<32768x2048xf32, #tpu.memory_space<hbm>> -> memref<8x2048xf32, #tpu.memory_space<hbm>>
    %dma_start3A_119 = tpu.memref_slice %arg8[%dma_start3A_112] : memref<7x!tpu.dma_semaphore, #tpu.memory_space<semaphore_mem>> -> memref<1x!tpu.dma_semaphore, #tpu.memory_space<semaphore_mem>>
    %dma_start3A_120 = tpu.memref_squeeze %dma_start3A_119 : memref<1x!tpu.dma_semaphore, #tpu.memory_space<semaphore_mem>> -> memref<!tpu.dma_semaphore, #tpu.memory_space<semaphore_mem>>
    %dma_start3A_121 = arith.constant 0 : i32
    %dma_start3A_122 = tpu.memref_slice %arg4[%add3A_110, %dma_start3A_121] : memref<32768x2048xf32, #tpu.memory_space<hbm>> -> memref<8x2048xf32, #tpu.memory_space<hbm>>
    %dma_start3A_123 = arith.constant 0 : i32
    %dma_start3A_124 = arith.constant 0 : i32
    %dma_start3A_125 = tpu.memref_slice %arg6[%dma_start3A_111, %dma_start3A_123, %dma_start3A_124] : memref<7x8x2048xf32, #tpu.memory_space<vmem>> -> memref<1x8x2048xf32, #tpu.memory_space<vmem>>
    %dma_start3A_126 = tpu.memref_squeeze %dma_start3A_125 : memref<1x8x2048xf32, #tpu.memory_space<vmem>> -> memref<8x2048xf32, #tpu.memory_space<vmem>>
    tpu.enqueue_dma source(%dma_start3A_126 : memref<8x2048xf32, #tpu.memory_space<vmem>>) target(%dma_start3A_122 : memref<8x2048xf32, #tpu.memory_space<hbm>>) target_semaphore(%dma_start3A_120 : memref<!tpu.dma_semaphore, #tpu.memory_space<semaphore_mem>>)
    %add3A_127 = arith.constant 952 : i32
    %add3A_128 = arith.addi %mul3A_2, %add3A_127 : i32
    %dma_wait3A_129 = arith.constant 0 : i32
    %dma_wait3A_130 = arith.constant 0 : i32
    %dma_wait3A_131 = arith.constant 0 : i32
    %dma_wait3A_132 = arith.constant 0 : i32
    %dma_wait3A_133 = tpu.memref_slice %arg6[%dma_wait3A_129, %dma_wait3A_131, %dma_wait3A_132] : memref<7x8x2048xf32, #tpu.memory_space<vmem>> -> memref<1x8x2048xf32, #tpu.memory_space<vmem>>
    %dma_wait3A_134 = tpu.memref_squeeze %dma_wait3A_133 : memref<1x8x2048xf32, #tpu.memory_space<vmem>> -> memref<8x2048xf32, #tpu.memory_space<vmem>>
    %dma_wait3A_135 = arith.constant 0 : i32
    %dma_wait3A_136 = tpu.memref_slice %arg4[%add3A_128, %dma_wait3A_135] : memref<32768x2048xf32, #tpu.memory_space<hbm>> -> memref<8x2048xf32, #tpu.memory_space<hbm>>
    %dma_wait3A_137 = tpu.memref_slice %arg8[%dma_wait3A_130] : memref<7x!tpu.dma_semaphore, #tpu.memory_space<semaphore_mem>> -> memref<1x!tpu.dma_semaphore, #tpu.memory_space<semaphore_mem>>
    %dma_wait3A_138 = tpu.memref_squeeze %dma_wait3A_137 : memref<1x!tpu.dma_semaphore, #tpu.memory_space<semaphore_mem>> -> memref<!tpu.dma_semaphore, #tpu.memory_space<semaphore_mem>>
    %dma_wait3A_139 = arith.constant 0 : i32
    %dma_wait3A_140 = tpu.memref_slice %arg4[%add3A_128, %dma_wait3A_139] : memref<32768x2048xf32, #tpu.memory_space<hbm>> -> memref<8x2048xf32, #tpu.memory_space<hbm>>
    %dma_wait3A_141 = arith.constant 0 : i32
    %dma_wait3A_142 = arith.constant 0 : i32
    %dma_wait3A_143 = tpu.memref_slice %arg6[%dma_wait3A_129, %dma_wait3A_141, %dma_wait3A_142] : memref<7x8x2048xf32, #tpu.memory_space<vmem>> -> memref<1x8x2048xf32, #tpu.memory_space<vmem>>
    %dma_wait3A_144 = tpu.memref_squeeze %dma_wait3A_143 : memref<1x8x2048xf32, #tpu.memory_space<vmem>> -> memref<8x2048xf32, #tpu.memory_space<vmem>>
    tpu.wait_dma2 semaphore(%dma_wait3A_138 : memref<!tpu.dma_semaphore, #tpu.memory_space<semaphore_mem>>) src(%dma_wait3A_144 : memref<8x2048xf32, #tpu.memory_space<vmem>>) dst(%dma_wait3A_140 : memref<8x2048xf32, #tpu.memory_space<hbm>>)
    %dma_start3A_145 = arith.constant 0 : i32
    %dma_start3A_146 = arith.constant 0 : i32
    %dma_start3A_147 = arith.constant 0 : i32
    %dma_start3A_148 = arith.constant 0 : i32
    %dma_start3A_149 = tpu.memref_slice %arg6[%dma_start3A_145, %dma_start3A_147, %dma_start3A_148] : memref<7x8x2048xf32, #tpu.memory_space<vmem>> -> memref<1x8x2048xf32, #tpu.memory_space<vmem>>
    %dma_start3A_150 = tpu.memref_squeeze %dma_start3A_149 : memref<1x8x2048xf32, #tpu.memory_space<vmem>> -> memref<8x2048xf32, #tpu.memory_space<vmem>>
    %dma_start3A_151 = arith.constant 1008 : i32
    %dma_start3A_152 = tpu.memref_slice %arg5[%dma_start3A_151] : memref<1024xi32, #tpu.memory_space<vmem>> -> memref<8xi32, #tpu.memory_space<vmem>>
    %dma_start3A_153 = arith.constant 0 : i32
    %dma_start3A_154 = arith.constant 0 : i32
    %dma_start3A_155 = tpu.memref_slice %arg3[%dma_start3A_153, %dma_start3A_154] : memref<8192x2048xf32, #tpu.memory_space<hbm>> -> memref<8192x2048xf32, #tpu.memory_space<hbm>>
    %dma_start3A_156 = tpu.memref_slice %arg7[%dma_start3A_146] : memref<7x!tpu.dma_semaphore, #tpu.memory_space<semaphore_mem>> -> memref<1x!tpu.dma_semaphore, #tpu.memory_space<semaphore_mem>>
    %dma_start3A_157 = tpu.memref_squeeze %dma_start3A_156 : memref<1x!tpu.dma_semaphore, #tpu.memory_space<semaphore_mem>> -> memref<!tpu.dma_semaphore, #tpu.memory_space<semaphore_mem>>
    tpu.enqueue_indirect_dma source(%dma_start3A_155 : memref<8192x2048xf32, #tpu.memory_space<hbm>>) target(%dma_start3A_150 : memref<8x2048xf32, #tpu.memory_space<vmem>>) offsets(%dma_start3A_152 : memref<8xi32, #tpu.memory_space<vmem>>) semaphore(%dma_start3A_157 : memref<!tpu.dma_semaphore, #tpu.memory_space<semaphore_mem>>)
    %dma_wait3A_158 = arith.constant 1 : i32
    %dma_wait3A_159 = arith.constant 1 : i32
    %dma_wait3A_160 = arith.constant 0 : i32
    %dma_wait3A_161 = arith.constant 0 : i32
    %dma_wait3A_162 = tpu.memref_slice %arg6[%dma_wait3A_158, %dma_wait3A_160, %dma_wait3A_161] : memref<7x8x2048xf32, #tpu.memory_space<vmem>> -> memref<1x8x2048xf32, #tpu.memory_space<vmem>>
    %dma_wait3A_163 = tpu.memref_squeeze %dma_wait3A_162 : memref<1x8x2048xf32, #tpu.memory_space<vmem>> -> memref<8x2048xf32, #tpu.memory_space<vmem>>
    %dma_wait3A_164 = arith.constant 960 : i32
    %dma_wait3A_165 = tpu.memref_slice %arg5[%dma_wait3A_164] : memref<1024xi32, #tpu.memory_space<vmem>> -> memref<8xi32, #tpu.memory_space<vmem>>
    %dma_wait3A_166 = arith.constant 0 : i32
    %dma_wait3A_167 = arith.constant 0 : i32
    %dma_wait3A_168 = tpu.memref_slice %arg3[%dma_wait3A_166, %dma_wait3A_167] : memref<8192x2048xf32, #tpu.memory_space<hbm>> -> memref<8192x2048xf32, #tpu.memory_space<hbm>>
    %dma_wait3A_169 = tpu.memref_slice %arg7[%dma_wait3A_159] : memref<7x!tpu.dma_semaphore, #tpu.memory_space<semaphore_mem>> -> memref<1x!tpu.dma_semaphore, #tpu.memory_space<semaphore_mem>>
    %dma_wait3A_170 = tpu.memref_squeeze %dma_wait3A_169 : memref<1x!tpu.dma_semaphore, #tpu.memory_space<semaphore_mem>> -> memref<!tpu.dma_semaphore, #tpu.memory_space<semaphore_mem>>
    tpu.wait_indirect_dma semaphore(%dma_wait3A_170 : memref<!tpu.dma_semaphore, #tpu.memory_space<semaphore_mem>>) src(%dma_wait3A_168 : memref<8192x2048xf32, #tpu.memory_space<hbm>>) dst(%dma_wait3A_163 : memref<8x2048xf32, #tpu.memory_space<vmem>>)
    %add3A_171 = arith.constant 960 : i32
    %add3A_172 = arith.addi %mul3A_2, %add3A_171 : i32
    %dma_start3A_173 = arith.constant 1 : i32
    %dma_start3A_174 = arith.constant 1 : i32
    %dma_start3A_175 = arith.constant 0 : i32
    %dma_start3A_176 = arith.constant 0 : i32
    %dma_start3A_177 = tpu.memref_slice %arg6[%dma_start3A_173, %dma_start3A_175, %dma_start3A_176] : memref<7x8x2048xf32, #tpu.memory_space<vmem>> -> memref<1x8x2048xf32, #tpu.memory_space<vmem>>
    %dma_start3A_178 = tpu.memref_squeeze %dma_start3A_177 : memref<1x8x2048xf32, #tpu.memory_space<vmem>> -> memref<8x2048xf32, #tpu.memory_space<vmem>>
    %dma_start3A_179 = arith.constant 0 : i32
    %dma_start3A_180 = tpu.memref_slice %arg4[%add3A_172, %dma_start3A_179] : memref<32768x2048xf32, #tpu.memory_space<hbm>> -> memref<8x2048xf32, #tpu.memory_space<hbm>>
    %dma_start3A_181 = tpu.memref_slice %arg8[%dma_start3A_174] : memref<7x!tpu.dma_semaphore, #tpu.memory_space<semaphore_mem>> -> memref<1x!tpu.dma_semaphore, #tpu.memory_space<semaphore_mem>>
    %dma_start3A_182 = tpu.memref_squeeze %dma_start3A_181 : memref<1x!tpu.dma_semaphore, #tpu.memory_space<semaphore_mem>> -> memref<!tpu.dma_semaphore, #tpu.memory_space<semaphore_mem>>
    %dma_start3A_183 = arith.constant 0 : i32
    %dma_start3A_184 = tpu.memref_slice %arg4[%add3A_172, %dma_start3A_183] : memref<32768x2048xf32, #tpu.memory_space<hbm>> -> memref<8x2048xf32, #tpu.memory_space<hbm>>
    %dma_start3A_185 = arith.constant 0 : i32
    %dma_start3A_186 = arith.constant 0 : i32
    %dma_start3A_187 = tpu.memref_slice %arg6[%dma_start3A_173, %dma_start3A_185, %dma_start3A_186] : memref<7x8x2048xf32, #tpu.memory_space<vmem>> -> memref<1x8x2048xf32, #tpu.memory_space<vmem>>
    %dma_start3A_188 = tpu.memref_squeeze %dma_start3A_187 : memref<1x8x2048xf32, #tpu.memory_space<vmem>> -> memref<8x2048xf32, #tpu.memory_space<vmem>>
    tpu.enqueue_dma source(%dma_start3A_188 : memref<8x2048xf32, #tpu.memory_space<vmem>>) target(%dma_start3A_184 : memref<8x2048xf32, #tpu.memory_space<hbm>>) target_semaphore(%dma_start3A_182 : memref<!tpu.dma_semaphore, #tpu.memory_space<semaphore_mem>>)
    %add3A_189 = arith.constant 960 : i32
    %add3A_190 = arith.addi %mul3A_2, %add3A_189 : i32
    %dma_wait3A_191 = arith.constant 1 : i32
    %dma_wait3A_192 = arith.constant 1 : i32
    %dma_wait3A_193 = arith.constant 0 : i32
    %dma_wait3A_194 = arith.constant 0 : i32
    %dma_wait3A_195 = tpu.memref_slice %arg6[%dma_wait3A_191, %dma_wait3A_193, %dma_wait3A_194] : memref<7x8x2048xf32, #tpu.memory_space<vmem>> -> memref<1x8x2048xf32, #tpu.memory_space<vmem>>
    %dma_wait3A_196 = tpu.memref_squeeze %dma_wait3A_195 : memref<1x8x2048xf32, #tpu.memory_space<vmem>> -> memref<8x2048xf32, #tpu.memory_space<vmem>>
    %dma_wait3A_197 = arith.constant 0 : i32
    %dma_wait3A_198 = tpu.memref_slice %arg4[%add3A_190, %dma_wait3A_197] : memref<32768x2048xf32, #tpu.memory_space<hbm>> -> memref<8x2048xf32, #tpu.memory_space<hbm>>
    %dma_wait3A_199 = tpu.memref_slice %arg8[%dma_wait3A_192] : memref<7x!tpu.dma_semaphore, #tpu.memory_space<semaphore_mem>> -> memref<1x!tpu.dma_semaphore, #tpu.memory_space<semaphore_mem>>
    %dma_wait3A_200 = tpu.memref_squeeze %dma_wait3A_199 : memref<1x!tpu.dma_semaphore, #tpu.memory_space<semaphore_mem>> -> memref<!tpu.dma_semaphore, #tpu.memory_space<semaphore_mem>>
    %dma_wait3A_201 = arith.constant 0 : i32
    %dma_wait3A_202 = tpu.memref_slice %arg4[%add3A_190, %dma_wait3A_201] : memref<32768x2048xf32, #tpu.memory_space<hbm>> -> memref<8x2048xf32, #tpu.memory_space<hbm>>
    %dma_wait3A_203 = arith.constant 0 : i32
    %dma_wait3A_204 = arith.constant 0 : i32
    %dma_wait3A_205 = tpu.memref_slice %arg6[%dma_wait3A_191, %dma_wait3A_203, %dma_wait3A_204] : memref<7x8x2048xf32, #tpu.memory_space<vmem>> -> memref<1x8x2048xf32, #tpu.memory_space<vmem>>
    %dma_wait3A_206 = tpu.memref_squeeze %dma_wait3A_205 : memref<1x8x2048xf32, #tpu.memory_space<vmem>> -> memref<8x2048xf32, #tpu.memory_space<vmem>>
    tpu.wait_dma2 semaphore(%dma_wait3A_200 : memref<!tpu.dma_semaphore, #tpu.memory_space<semaphore_mem>>) src(%dma_wait3A_206 : memref<8x2048xf32, #tpu.memory_space<vmem>>) dst(%dma_wait3A_202 : memref<8x2048xf32, #tpu.memory_space<hbm>>)
    %dma_start3A_207 = arith.constant 1 : i32
    %dma_start3A_208 = arith.constant 1 : i32
    %dma_start3A_209 = arith.constant 0 : i32
    %dma_start3A_210 = arith.constant 0 : i32
    %dma_start3A_211 = tpu.memref_slice %arg6[%dma_start3A_207, %dma_start3A_209, %dma_start3A_210] : memref<7x8x2048xf32, #tpu.memory_space<vmem>> -> memref<1x8x2048xf32, #tpu.memory_space<vmem>>
    %dma_start3A_212 = tpu.memref_squeeze %dma_start3A_211 : memref<1x8x2048xf32, #tpu.memory_space<vmem>> -> memref<8x2048xf32, #tpu.memory_space<vmem>>
    %dma_start3A_213 = arith.constant 1016 : i32
    %dma_start3A_214 = tpu.memref_slice %arg5[%dma_start3A_213] : memref<1024xi32, #tpu.memory_space<vmem>> -> memref<8xi32, #tpu.memory_space<vmem>>
    %dma_start3A_215 = arith.constant 0 : i32
    %dma_start3A_216 = arith.constant 0 : i32
    %dma_start3A_217 = tpu.memref_slice %arg3[%dma_start3A_215, %dma_start3A_216] : memref<8192x2048xf32, #tpu.memory_space<hbm>> -> memref<8192x2048xf32, #tpu.memory_space<hbm>>
    %dma_start3A_218 = tpu.memref_slice %arg7[%dma_start3A_208] : memref<7x!tpu.dma_semaphore, #tpu.memory_space<semaphore_mem>> -> memref<1x!tpu.dma_semaphore, #tpu.memory_space<semaphore_mem>>
    %dma_start3A_219 = tpu.memref_squeeze %dma_start3A_218 : memref<1x!tpu.dma_semaphore, #tpu.memory_space<semaphore_mem>> -> memref<!tpu.dma_semaphore, #tpu.memory_space<semaphore_mem>>
    tpu.enqueue_indirect_dma source(%dma_start3A_217 : memref<8192x2048xf32, #tpu.memory_space<hbm>>) target(%dma_start3A_212 : memref<8x2048xf32, #tpu.memory_space<vmem>>) offsets(%dma_start3A_214 : memref<8xi32, #tpu.memory_space<vmem>>) semaphore(%dma_start3A_219 : memref<!tpu.dma_semaphore, #tpu.memory_space<semaphore_mem>>)
    %dma_wait3A_220 = arith.constant 2 : i32
    %dma_wait3A_221 = arith.constant 2 : i32
    %dma_wait3A_222 = arith.constant 0 : i32
    %dma_wait3A_223 = arith.constant 0 : i32
    %dma_wait3A_224 = tpu.memref_slice %arg6[%dma_wait3A_220, %dma_wait3A_222, %dma_wait3A_223] : memref<7x8x2048xf32, #tpu.memory_space<vmem>> -> memref<1x8x2048xf32, #tpu.memory_space<vmem>>
    %dma_wait3A_225 = tpu.memref_squeeze %dma_wait3A_224 : memref<1x8x2048xf32, #tpu.memory_space<vmem>> -> memref<8x2048xf32, #tpu.memory_space<vmem>>
    %dma_wait3A_226 = arith.constant 968 : i32
    %dma_wait3A_227 = tpu.memref_slice %arg5[%dma_wait3A_226] : memref<1024xi32, #tpu.memory_space<vmem>> -> memref<8xi32, #tpu.memory_space<vmem>>
    %dma_wait3A_228 = arith.constant 0 : i32
    %dma_wait3A_229 = arith.constant 0 : i32
    %dma_wait3A_230 = tpu.memref_slice %arg3[%dma_wait3A_228, %dma_wait3A_229] : memref<8192x2048xf32, #tpu.memory_space<hbm>> -> memref<8192x2048xf32, #tpu.memory_space<hbm>>
    %dma_wait3A_231 = tpu.memref_slice %arg7[%dma_wait3A_221] : memref<7x!tpu.dma_semaphore, #tpu.memory_space<semaphore_mem>> -> memref<1x!tpu.dma_semaphore, #tpu.memory_space<semaphore_mem>>
    %dma_wait3A_232 = tpu.memref_squeeze %dma_wait3A_231 : memref<1x!tpu.dma_semaphore, #tpu.memory_space<semaphore_mem>> -> memref<!tpu.dma_semaphore, #tpu.memory_space<semaphore_mem>>
    tpu.wait_indirect_dma semaphore(%dma_wait3A_232 : memref<!tpu.dma_semaphore, #tpu.memory_space<semaphore_mem>>) src(%dma_wait3A_230 : memref<8192x2048xf32, #tpu.memory_space<hbm>>) dst(%dma_wait3A_225 : memref<8x2048xf32, #tpu.memory_space<vmem>>)
    %add3A_233 = arith.constant 968 : i32
    %add3A_234 = arith.addi %mul3A_2, %add3A_233 : i32
    %dma_start3A_235 = arith.constant 2 : i32
    %dma_start3A_236 = arith.constant 2 : i32
    %dma_start3A_237 = arith.constant 0 : i32
    %dma_start3A_238 = arith.constant 0 : i32
    %dma_start3A_239 = tpu.memref_slice %arg6[%dma_start3A_235, %dma_start3A_237, %dma_start3A_238] : memref<7x8x2048xf32, #tpu.memory_space<vmem>> -> memref<1x8x2048xf32, #tpu.memory_space<vmem>>
    %dma_start3A_240 = tpu.memref_squeeze %dma_start3A_239 : memref<1x8x2048xf32, #tpu.memory_space<vmem>> -> memref<8x2048xf32, #tpu.memory_space<vmem>>
    %dma_start3A_241 = arith.constant 0 : i32
    %dma_start3A_242 = tpu.memref_slice %arg4[%add3A_234, %dma_start3A_241] : memref<32768x2048xf32, #tpu.memory_space<hbm>> -> memref<8x2048xf32, #tpu.memory_space<hbm>>
    %dma_start3A_243 = tpu.memref_slice %arg8[%dma_start3A_236] : memref<7x!tpu.dma_semaphore, #tpu.memory_space<semaphore_mem>> -> memref<1x!tpu.dma_semaphore, #tpu.memory_space<semaphore_mem>>
    %dma_start3A_244 = tpu.memref_squeeze %dma_start3A_243 : memref<1x!tpu.dma_semaphore, #tpu.memory_space<semaphore_mem>> -> memref<!tpu.dma_semaphore, #tpu.memory_space<semaphore_mem>>
    %dma_start3A_245 = arith.constant 0 : i32
    %dma_start3A_246 = tpu.memref_slice %arg4[%add3A_234, %dma_start3A_245] : memref<32768x2048xf32, #tpu.memory_space<hbm>> -> memref<8x2048xf32, #tpu.memory_space<hbm>>
    %dma_start3A_247 = arith.constant 0 : i32
    %dma_start3A_248 = arith.constant 0 : i32
    %dma_start3A_249 = tpu.memref_slice %arg6[%dma_start3A_235, %dma_start3A_247, %dma_start3A_248] : memref<7x8x2048xf32, #tpu.memory_space<vmem>> -> memref<1x8x2048xf32, #tpu.memory_space<vmem>>
    %dma_start3A_250 = tpu.memref_squeeze %dma_start3A_249 : memref<1x8x2048xf32, #tpu.memory_space<vmem>> -> memref<8x2048xf32, #tpu.memory_space<vmem>>
    tpu.enqueue_dma source(%dma_start3A_250 : memref<8x2048xf32, #tpu.memory_space<vmem>>) target(%dma_start3A_246 : memref<8x2048xf32, #tpu.memory_space<hbm>>) target_semaphore(%dma_start3A_244 : memref<!tpu.dma_semaphore, #tpu.memory_space<semaphore_mem>>)
    %add3A_251 = arith.constant 968 : i32
    %add3A_252 = arith.addi %mul3A_2, %add3A_251 : i32
    %dma_wait3A_253 = arith.constant 2 : i32
    %dma_wait3A_254 = arith.constant 2 : i32
    %dma_wait3A_255 = arith.constant 0 : i32
    %dma_wait3A_256 = arith.constant 0 : i32
    %dma_wait3A_257 = tpu.memref_slice %arg6[%dma_wait3A_253, %dma_wait3A_255, %dma_wait3A_256] : memref<7x8x2048xf32, #tpu.memory_space<vmem>> -> memref<1x8x2048xf32, #tpu.memory_space<vmem>>
    %dma_wait3A_258 = tpu.memref_squeeze %dma_wait3A_257 : memref<1x8x2048xf32, #tpu.memory_space<vmem>> -> memref<8x2048xf32, #tpu.memory_space<vmem>>
    %dma_wait3A_259 = arith.constant 0 : i32
    %dma_wait3A_260 = tpu.memref_slice %arg4[%add3A_252, %dma_wait3A_259] : memref<32768x2048xf32, #tpu.memory_space<hbm>> -> memref<8x2048xf32, #tpu.memory_space<hbm>>
    %dma_wait3A_261 = tpu.memref_slice %arg8[%dma_wait3A_254] : memref<7x!tpu.dma_semaphore, #tpu.memory_space<semaphore_mem>> -> memref<1x!tpu.dma_semaphore, #tpu.memory_space<semaphore_mem>>
    %dma_wait3A_262 = tpu.memref_squeeze %dma_wait3A_261 : memref<1x!tpu.dma_semaphore, #tpu.memory_space<semaphore_mem>> -> memref<!tpu.dma_semaphore, #tpu.memory_space<semaphore_mem>>
    %dma_wait3A_263 = arith.constant 0 : i32
    %dma_wait3A_264 = tpu.memref_slice %arg4[%add3A_252, %dma_wait3A_263] : memref<32768x2048xf32, #tpu.memory_space<hbm>> -> memref<8x2048xf32, #tpu.memory_space<hbm>>
    %dma_wait3A_265 = arith.constant 0 : i32
    %dma_wait3A_266 = arith.constant 0 : i32
    %dma_wait3A_267 = tpu.memref_slice %arg6[%dma_wait3A_253, %dma_wait3A_265, %dma_wait3A_266] : memref<7x8x2048xf32, #tpu.memory_space<vmem>> -> memref<1x8x2048xf32, #tpu.memory_space<vmem>>
    %dma_wait3A_268 = tpu.memref_squeeze %dma_wait3A_267 : memref<1x8x2048xf32, #tpu.memory_space<vmem>> -> memref<8x2048xf32, #tpu.memory_space<vmem>>
    tpu.wait_dma2 semaphore(%dma_wait3A_262 : memref<!tpu.dma_semaphore, #tpu.memory_space<semaphore_mem>>) src(%dma_wait3A_268 : memref<8x2048xf32, #tpu.memory_space<vmem>>) dst(%dma_wait3A_264 : memref<8x2048xf32, #tpu.memory_space<hbm>>)
    %dma_wait3A_269 = arith.constant 3 : i32
    %dma_wait3A_270 = arith.constant 3 : i32
    %dma_wait3A_271 = arith.constant 0 : i32
    %dma_wait3A_272 = arith.constant 0 : i32
    %dma_wait3A_273 = tpu.memref_slice %arg6[%dma_wait3A_269, %dma_wait3A_271, %dma_wait3A_272] : memref<7x8x2048xf32, #tpu.memory_space<vmem>> -> memref<1x8x2048xf32, #tpu.memory_space<vmem>>
    %dma_wait3A_274 = tpu.memref_squeeze %dma_wait3A_273 : memref<1x8x2048xf32, #tpu.memory_space<vmem>> -> memref<8x2048xf32, #tpu.memory_space<vmem>>
    %dma_wait3A_275 = arith.constant 976 : i32
    %dma_wait3A_276 = tpu.memref_slice %arg5[%dma_wait3A_275] : memref<1024xi32, #tpu.memory_space<vmem>> -> memref<8xi32, #tpu.memory_space<vmem>>
    %dma_wait3A_277 = arith.constant 0 : i32
    %dma_wait3A_278 = arith.constant 0 : i32
    %dma_wait3A_279 = tpu.memref_slice %arg3[%dma_wait3A_277, %dma_wait3A_278] : memref<8192x2048xf32, #tpu.memory_space<hbm>> -> memref<8192x2048xf32, #tpu.memory_space<hbm>>
    %dma_wait3A_280 = tpu.memref_slice %arg7[%dma_wait3A_270] : memref<7x!tpu.dma_semaphore, #tpu.memory_space<semaphore_mem>> -> memref<1x!tpu.dma_semaphore, #tpu.memory_space<semaphore_mem>>
    %dma_wait3A_281 = tpu.memref_squeeze %dma_wait3A_280 : memref<1x!tpu.dma_semaphore, #tpu.memory_space<semaphore_mem>> -> memref<!tpu.dma_semaphore, #tpu.memory_space<semaphore_mem>>
    tpu.wait_indirect_dma semaphore(%dma_wait3A_281 : memref<!tpu.dma_semaphore, #tpu.memory_space<semaphore_mem>>) src(%dma_wait3A_279 : memref<8192x2048xf32, #tpu.memory_space<hbm>>) dst(%dma_wait3A_274 : memref<8x2048xf32, #tpu.memory_space<vmem>>)
    %add3A_282 = arith.constant 976 : i32
    %add3A_283 = arith.addi %mul3A_2, %add3A_282 : i32
    %dma_start3A_284 = arith.constant 3 : i32
    %dma_start3A_285 = arith.constant 3 : i32
    %dma_start3A_286 = arith.constant 0 : i32
    %dma_start3A_287 = arith.constant 0 : i32
    %dma_start3A_288 = tpu.memref_slice %arg6[%dma_start3A_284, %dma_start3A_286, %dma_start3A_287] : memref<7x8x2048xf32, #tpu.memory_space<vmem>> -> memref<1x8x2048xf32, #tpu.memory_space<vmem>>
    %dma_start3A_289 = tpu.memref_squeeze %dma_start3A_288 : memref<1x8x2048xf32, #tpu.memory_space<vmem>> -> memref<8x2048xf32, #tpu.memory_space<vmem>>
    %dma_start3A_290 = arith.constant 0 : i32
    %dma_start3A_291 = tpu.memref_slice %arg4[%add3A_283, %dma_start3A_290] : memref<32768x2048xf32, #tpu.memory_space<hbm>> -> memref<8x2048xf32, #tpu.memory_space<hbm>>
    %dma_start3A_292 = tpu.memref_slice %arg8[%dma_start3A_285] : memref<7x!tpu.dma_semaphore, #tpu.memory_space<semaphore_mem>> -> memref<1x!tpu.dma_semaphore, #tpu.memory_space<semaphore_mem>>
    %dma_start3A_293 = tpu.memref_squeeze %dma_start3A_292 : memref<1x!tpu.dma_semaphore, #tpu.memory_space<semaphore_mem>> -> memref<!tpu.dma_semaphore, #tpu.memory_space<semaphore_mem>>
    %dma_start3A_294 = arith.constant 0 : i32
    %dma_start3A_295 = tpu.memref_slice %arg4[%add3A_283, %dma_start3A_294] : memref<32768x2048xf32, #tpu.memory_space<hbm>> -> memref<8x2048xf32, #tpu.memory_space<hbm>>
    %dma_start3A_296 = arith.constant 0 : i32
    %dma_start3A_297 = arith.constant 0 : i32
    %dma_start3A_298 = tpu.memref_slice %arg6[%dma_start3A_284, %dma_start3A_296, %dma_start3A_297] : memref<7x8x2048xf32, #tpu.memory_space<vmem>> -> memref<1x8x2048xf32, #tpu.memory_space<vmem>>
    %dma_start3A_299 = tpu.memref_squeeze %dma_start3A_298 : memref<1x8x2048xf32, #tpu.memory_space<vmem>> -> memref<8x2048xf32, #tpu.memory_space<vmem>>
    tpu.enqueue_dma source(%dma_start3A_299 : memref<8x2048xf32, #tpu.memory_space<vmem>>) target(%dma_start3A_295 : memref<8x2048xf32, #tpu.memory_space<hbm>>) target_semaphore(%dma_start3A_293 : memref<!tpu.dma_semaphore, #tpu.memory_space<semaphore_mem>>)
    %add3A_300 = arith.constant 976 : i32
    %add3A_301 = arith.addi %mul3A_2, %add3A_300 : i32
    %dma_wait3A_302 = arith.constant 3 : i32
    %dma_wait3A_303 = arith.constant 3 : i32
    %dma_wait3A_304 = arith.constant 0 : i32
    %dma_wait3A_305 = arith.constant 0 : i32
    %dma_wait3A_306 = tpu.memref_slice %arg6[%dma_wait3A_302, %dma_wait3A_304, %dma_wait3A_305] : memref<7x8x2048xf32, #tpu.memory_space<vmem>> -> memref<1x8x2048xf32, #tpu.memory_space<vmem>>
    %dma_wait3A_307 = tpu.memref_squeeze %dma_wait3A_306 : memref<1x8x2048xf32, #tpu.memory_space<vmem>> -> memref<8x2048xf32, #tpu.memory_space<vmem>>
    %dma_wait3A_308 = arith.constant 0 : i32
    %dma_wait3A_309 = tpu.memref_slice %arg4[%add3A_301, %dma_wait3A_308] : memref<32768x2048xf32, #tpu.memory_space<hbm>> -> memref<8x2048xf32, #tpu.memory_space<hbm>>
    %dma_wait3A_310 = tpu.memref_slice %arg8[%dma_wait3A_303] : memref<7x!tpu.dma_semaphore, #tpu.memory_space<semaphore_mem>> -> memref<1x!tpu.dma_semaphore, #tpu.memory_space<semaphore_mem>>
    %dma_wait3A_311 = tpu.memref_squeeze %dma_wait3A_310 : memref<1x!tpu.dma_semaphore, #tpu.memory_space<semaphore_mem>> -> memref<!tpu.dma_semaphore, #tpu.memory_space<semaphore_mem>>
    %dma_wait3A_312 = arith.constant 0 : i32
    %dma_wait3A_313 = tpu.memref_slice %arg4[%add3A_301, %dma_wait3A_312] : memref<32768x2048xf32, #tpu.memory_space<hbm>> -> memref<8x2048xf32, #tpu.memory_space<hbm>>
    %dma_wait3A_314 = arith.constant 0 : i32
    %dma_wait3A_315 = arith.constant 0 : i32
    %dma_wait3A_316 = tpu.memref_slice %arg6[%dma_wait3A_302, %dma_wait3A_314, %dma_wait3A_315] : memref<7x8x2048xf32, #tpu.memory_space<vmem>> -> memref<1x8x2048xf32, #tpu.memory_space<vmem>>
    %dma_wait3A_317 = tpu.memref_squeeze %dma_wait3A_316 : memref<1x8x2048xf32, #tpu.memory_space<vmem>> -> memref<8x2048xf32, #tpu.memory_space<vmem>>
    tpu.wait_dma2 semaphore(%dma_wait3A_311 : memref<!tpu.dma_semaphore, #tpu.memory_space<semaphore_mem>>) src(%dma_wait3A_317 : memref<8x2048xf32, #tpu.memory_space<vmem>>) dst(%dma_wait3A_313 : memref<8x2048xf32, #tpu.memory_space<hbm>>)
    %dma_wait3A_318 = arith.constant 4 : i32
    %dma_wait3A_319 = arith.constant 4 : i32
    %dma_wait3A_320 = arith.constant 0 : i32
    %dma_wait3A_321 = arith.constant 0 : i32
    %dma_wait3A_322 = tpu.memref_slice %arg6[%dma_wait3A_318, %dma_wait3A_320, %dma_wait3A_321] : memref<7x8x2048xf32, #tpu.memory_space<vmem>> -> memref<1x8x2048xf32, #tpu.memory_space<vmem>>
    %dma_wait3A_323 = tpu.memref_squeeze %dma_wait3A_322 : memref<1x8x2048xf32, #tpu.memory_space<vmem>> -> memref<8x2048xf32, #tpu.memory_space<vmem>>
    %dma_wait3A_324 = arith.constant 984 : i32
    %dma_wait3A_325 = tpu.memref_slice %arg5[%dma_wait3A_324] : memref<1024xi32, #tpu.memory_space<vmem>> -> memref<8xi32, #tpu.memory_space<vmem>>
    %dma_wait3A_326 = arith.constant 0 : i32
    %dma_wait3A_327 = arith.constant 0 : i32
    %dma_wait3A_328 = tpu.memref_slice %arg3[%dma_wait3A_326, %dma_wait3A_327] : memref<8192x2048xf32, #tpu.memory_space<hbm>> -> memref<8192x2048xf32, #tpu.memory_space<hbm>>
    %dma_wait3A_329 = tpu.memref_slice %arg7[%dma_wait3A_319] : memref<7x!tpu.dma_semaphore, #tpu.memory_space<semaphore_mem>> -> memref<1x!tpu.dma_semaphore, #tpu.memory_space<semaphore_mem>>
    %dma_wait3A_330 = tpu.memref_squeeze %dma_wait3A_329 : memref<1x!tpu.dma_semaphore, #tpu.memory_space<semaphore_mem>> -> memref<!tpu.dma_semaphore, #tpu.memory_space<semaphore_mem>>
    tpu.wait_indirect_dma semaphore(%dma_wait3A_330 : memref<!tpu.dma_semaphore, #tpu.memory_space<semaphore_mem>>) src(%dma_wait3A_328 : memref<8192x2048xf32, #tpu.memory_space<hbm>>) dst(%dma_wait3A_323 : memref<8x2048xf32, #tpu.memory_space<vmem>>)
    %add3A_331 = arith.constant 984 : i32
    %add3A_332 = arith.addi %mul3A_2, %add3A_331 : i32
    %dma_start3A_333 = arith.constant 4 : i32
    %dma_start3A_334 = arith.constant 4 : i32
    %dma_start3A_335 = arith.constant 0 : i32
    %dma_start3A_336 = arith.constant 0 : i32
    %dma_start3A_337 = tpu.memref_slice %arg6[%dma_start3A_333, %dma_start3A_335, %dma_start3A_336] : memref<7x8x2048xf32, #tpu.memory_space<vmem>> -> memref<1x8x2048xf32, #tpu.memory_space<vmem>>
    %dma_start3A_338 = tpu.memref_squeeze %dma_start3A_337 : memref<1x8x2048xf32, #tpu.memory_space<vmem>> -> memref<8x2048xf32, #tpu.memory_space<vmem>>
    %dma_start3A_339 = arith.constant 0 : i32
    %dma_start3A_340 = tpu.memref_slice %arg4[%add3A_332, %dma_start3A_339] : memref<32768x2048xf32, #tpu.memory_space<hbm>> -> memref<8x2048xf32, #tpu.memory_space<hbm>>
    %dma_start3A_341 = tpu.memref_slice %arg8[%dma_start3A_334] : memref<7x!tpu.dma_semaphore, #tpu.memory_space<semaphore_mem>> -> memref<1x!tpu.dma_semaphore, #tpu.memory_space<semaphore_mem>>
    %dma_start3A_342 = tpu.memref_squeeze %dma_start3A_341 : memref<1x!tpu.dma_semaphore, #tpu.memory_space<semaphore_mem>> -> memref<!tpu.dma_semaphore, #tpu.memory_space<semaphore_mem>>
    %dma_start3A_343 = arith.constant 0 : i32
    %dma_start3A_344 = tpu.memref_slice %arg4[%add3A_332, %dma_start3A_343] : memref<32768x2048xf32, #tpu.memory_space<hbm>> -> memref<8x2048xf32, #tpu.memory_space<hbm>>
    %dma_start3A_345 = arith.constant 0 : i32
    %dma_start3A_346 = arith.constant 0 : i32
    %dma_start3A_347 = tpu.memref_slice %arg6[%dma_start3A_333, %dma_start3A_345, %dma_start3A_346] : memref<7x8x2048xf32, #tpu.memory_space<vmem>> -> memref<1x8x2048xf32, #tpu.memory_space<vmem>>
    %dma_start3A_348 = tpu.memref_squeeze %dma_start3A_347 : memref<1x8x2048xf32, #tpu.memory_space<vmem>> -> memref<8x2048xf32, #tpu.memory_space<vmem>>
    tpu.enqueue_dma source(%dma_start3A_348 : memref<8x2048xf32, #tpu.memory_space<vmem>>) target(%dma_start3A_344 : memref<8x2048xf32, #tpu.memory_space<hbm>>) target_semaphore(%dma_start3A_342 : memref<!tpu.dma_semaphore, #tpu.memory_space<semaphore_mem>>)
    %add3A_349 = arith.constant 984 : i32
    %add3A_350 = arith.addi %mul3A_2, %add3A_349 : i32
    %dma_wait3A_351 = arith.constant 4 : i32
    %dma_wait3A_352 = arith.constant 4 : i32
    %dma_wait3A_353 = arith.constant 0 : i32
    %dma_wait3A_354 = arith.constant 0 : i32
    %dma_wait3A_355 = tpu.memref_slice %arg6[%dma_wait3A_351, %dma_wait3A_353, %dma_wait3A_354] : memref<7x8x2048xf32, #tpu.memory_space<vmem>> -> memref<1x8x2048xf32, #tpu.memory_space<vmem>>
    %dma_wait3A_356 = tpu.memref_squeeze %dma_wait3A_355 : memref<1x8x2048xf32, #tpu.memory_space<vmem>> -> memref<8x2048xf32, #tpu.memory_space<vmem>>
    %dma_wait3A_357 = arith.constant 0 : i32
    %dma_wait3A_358 = tpu.memref_slice %arg4[%add3A_350, %dma_wait3A_357] : memref<32768x2048xf32, #tpu.memory_space<hbm>> -> memref<8x2048xf32, #tpu.memory_space<hbm>>
    %dma_wait3A_359 = tpu.memref_slice %arg8[%dma_wait3A_352] : memref<7x!tpu.dma_semaphore, #tpu.memory_space<semaphore_mem>> -> memref<1x!tpu.dma_semaphore, #tpu.memory_space<semaphore_mem>>
    %dma_wait3A_360 = tpu.memref_squeeze %dma_wait3A_359 : memref<1x!tpu.dma_semaphore, #tpu.memory_space<semaphore_mem>> -> memref<!tpu.dma_semaphore, #tpu.memory_space<semaphore_mem>>
    %dma_wait3A_361 = arith.constant 0 : i32
    %dma_wait3A_362 = tpu.memref_slice %arg4[%add3A_350, %dma_wait3A_361] : memref<32768x2048xf32, #tpu.memory_space<hbm>> -> memref<8x2048xf32, #tpu.memory_space<hbm>>
    %dma_wait3A_363 = arith.constant 0 : i32
    %dma_wait3A_364 = arith.constant 0 : i32
    %dma_wait3A_365 = tpu.memref_slice %arg6[%dma_wait3A_351, %dma_wait3A_363, %dma_wait3A_364] : memref<7x8x2048xf32, #tpu.memory_space<vmem>> -> memref<1x8x2048xf32, #tpu.memory_space<vmem>>
    %dma_wait3A_366 = tpu.memref_squeeze %dma_wait3A_365 : memref<1x8x2048xf32, #tpu.memory_space<vmem>> -> memref<8x2048xf32, #tpu.memory_space<vmem>>
    tpu.wait_dma2 semaphore(%dma_wait3A_360 : memref<!tpu.dma_semaphore, #tpu.memory_space<semaphore_mem>>) src(%dma_wait3A_366 : memref<8x2048xf32, #tpu.memory_space<vmem>>) dst(%dma_wait3A_362 : memref<8x2048xf32, #tpu.memory_space<hbm>>)
    %dma_wait3A_367 = arith.constant 5 : i32
    %dma_wait3A_368 = arith.constant 5 : i32
    %dma_wait3A_369 = arith.constant 0 : i32
    %dma_wait3A_370 = arith.constant 0 : i32
    %dma_wait3A_371 = tpu.memref_slice %arg6[%dma_wait3A_367, %dma_wait3A_369, %dma_wait3A_370] : memref<7x8x2048xf32, #tpu.memory_space<vmem>> -> memref<1x8x2048xf32, #tpu.memory_space<vmem>>
    %dma_wait3A_372 = tpu.memref_squeeze %dma_wait3A_371 : memref<1x8x2048xf32, #tpu.memory_space<vmem>> -> memref<8x2048xf32, #tpu.memory_space<vmem>>
    %dma_wait3A_373 = arith.constant 992 : i32
    %dma_wait3A_374 = tpu.memref_slice %arg5[%dma_wait3A_373] : memref<1024xi32, #tpu.memory_space<vmem>> -> memref<8xi32, #tpu.memory_space<vmem>>
    %dma_wait3A_375 = arith.constant 0 : i32
    %dma_wait3A_376 = arith.constant 0 : i32
    %dma_wait3A_377 = tpu.memref_slice %arg3[%dma_wait3A_375, %dma_wait3A_376] : memref<8192x2048xf32, #tpu.memory_space<hbm>> -> memref<8192x2048xf32, #tpu.memory_space<hbm>>
    %dma_wait3A_378 = tpu.memref_slice %arg7[%dma_wait3A_368] : memref<7x!tpu.dma_semaphore, #tpu.memory_space<semaphore_mem>> -> memref<1x!tpu.dma_semaphore, #tpu.memory_space<semaphore_mem>>
    %dma_wait3A_379 = tpu.memref_squeeze %dma_wait3A_378 : memref<1x!tpu.dma_semaphore, #tpu.memory_space<semaphore_mem>> -> memref<!tpu.dma_semaphore, #tpu.memory_space<semaphore_mem>>
    tpu.wait_indirect_dma semaphore(%dma_wait3A_379 : memref<!tpu.dma_semaphore, #tpu.memory_space<semaphore_mem>>) src(%dma_wait3A_377 : memref<8192x2048xf32, #tpu.memory_space<hbm>>) dst(%dma_wait3A_372 : memref<8x2048xf32, #tpu.memory_space<vmem>>)
    %add3A_380 = arith.constant 992 : i32
    %add3A_381 = arith.addi %mul3A_2, %add3A_380 : i32
    %dma_start3A_382 = arith.constant 5 : i32
    %dma_start3A_383 = arith.constant 5 : i32
    %dma_start3A_384 = arith.constant 0 : i32
    %dma_start3A_385 = arith.constant 0 : i32
    %dma_start3A_386 = tpu.memref_slice %arg6[%dma_start3A_382, %dma_start3A_384, %dma_start3A_385] : memref<7x8x2048xf32, #tpu.memory_space<vmem>> -> memref<1x8x2048xf32, #tpu.memory_space<vmem>>
    %dma_start3A_387 = tpu.memref_squeeze %dma_start3A_386 : memref<1x8x2048xf32, #tpu.memory_space<vmem>> -> memref<8x2048xf32, #tpu.memory_space<vmem>>
    %dma_start3A_388 = arith.constant 0 : i32
    %dma_start3A_389 = tpu.memref_slice %arg4[%add3A_381, %dma_start3A_388] : memref<32768x2048xf32, #tpu.memory_space<hbm>> -> memref<8x2048xf32, #tpu.memory_space<hbm>>
    %dma_start3A_390 = tpu.memref_slice %arg8[%dma_start3A_383] : memref<7x!tpu.dma_semaphore, #tpu.memory_space<semaphore_mem>> -> memref<1x!tpu.dma_semaphore, #tpu.memory_space<semaphore_mem>>
    %dma_start3A_391 = tpu.memref_squeeze %dma_start3A_390 : memref<1x!tpu.dma_semaphore, #tpu.memory_space<semaphore_mem>> -> memref<!tpu.dma_semaphore, #tpu.memory_space<semaphore_mem>>
    %dma_start3A_392 = arith.constant 0 : i32
    %dma_start3A_393 = tpu.memref_slice %arg4[%add3A_381, %dma_start3A_392] : memref<32768x2048xf32, #tpu.memory_space<hbm>> -> memref<8x2048xf32, #tpu.memory_space<hbm>>
    %dma_start3A_394 = arith.constant 0 : i32
    %dma_start3A_395 = arith.constant 0 : i32
    %dma_start3A_396 = tpu.memref_slice %arg6[%dma_start3A_382, %dma_start3A_394, %dma_start3A_395] : memref<7x8x2048xf32, #tpu.memory_space<vmem>> -> memref<1x8x2048xf32, #tpu.memory_space<vmem>>
    %dma_start3A_397 = tpu.memref_squeeze %dma_start3A_396 : memref<1x8x2048xf32, #tpu.memory_space<vmem>> -> memref<8x2048xf32, #tpu.memory_space<vmem>>
    tpu.enqueue_dma source(%dma_start3A_397 : memref<8x2048xf32, #tpu.memory_space<vmem>>) target(%dma_start3A_393 : memref<8x2048xf32, #tpu.memory_space<hbm>>) target_semaphore(%dma_start3A_391 : memref<!tpu.dma_semaphore, #tpu.memory_space<semaphore_mem>>)
    %add3A_398 = arith.constant 992 : i32
    %add3A_399 = arith.addi %mul3A_2, %add3A_398 : i32
    %dma_wait3A_400 = arith.constant 5 : i32
    %dma_wait3A_401 = arith.constant 5 : i32
    %dma_wait3A_402 = arith.constant 0 : i32
    %dma_wait3A_403 = arith.constant 0 : i32
    %dma_wait3A_404 = tpu.memref_slice %arg6[%dma_wait3A_400, %dma_wait3A_402, %dma_wait3A_403] : memref<7x8x2048xf32, #tpu.memory_space<vmem>> -> memref<1x8x2048xf32, #tpu.memory_space<vmem>>
    %dma_wait3A_405 = tpu.memref_squeeze %dma_wait3A_404 : memref<1x8x2048xf32, #tpu.memory_space<vmem>> -> memref<8x2048xf32, #tpu.memory_space<vmem>>
    %dma_wait3A_406 = arith.constant 0 : i32
    %dma_wait3A_407 = tpu.memref_slice %arg4[%add3A_399, %dma_wait3A_406] : memref<32768x2048xf32, #tpu.memory_space<hbm>> -> memref<8x2048xf32, #tpu.memory_space<hbm>>
    %dma_wait3A_408 = tpu.memref_slice %arg8[%dma_wait3A_401] : memref<7x!tpu.dma_semaphore, #tpu.memory_space<semaphore_mem>> -> memref<1x!tpu.dma_semaphore, #tpu.memory_space<semaphore_mem>>
    %dma_wait3A_409 = tpu.memref_squeeze %dma_wait3A_408 : memref<1x!tpu.dma_semaphore, #tpu.memory_space<semaphore_mem>> -> memref<!tpu.dma_semaphore, #tpu.memory_space<semaphore_mem>>
    %dma_wait3A_410 = arith.constant 0 : i32
    %dma_wait3A_411 = tpu.memref_slice %arg4[%add3A_399, %dma_wait3A_410] : memref<32768x2048xf32, #tpu.memory_space<hbm>> -> memref<8x2048xf32, #tpu.memory_space<hbm>>
    %dma_wait3A_412 = arith.constant 0 : i32
    %dma_wait3A_413 = arith.constant 0 : i32
    %dma_wait3A_414 = tpu.memref_slice %arg6[%dma_wait3A_400, %dma_wait3A_412, %dma_wait3A_413] : memref<7x8x2048xf32, #tpu.memory_space<vmem>> -> memref<1x8x2048xf32, #tpu.memory_space<vmem>>
    %dma_wait3A_415 = tpu.memref_squeeze %dma_wait3A_414 : memref<1x8x2048xf32, #tpu.memory_space<vmem>> -> memref<8x2048xf32, #tpu.memory_space<vmem>>
    tpu.wait_dma2 semaphore(%dma_wait3A_409 : memref<!tpu.dma_semaphore, #tpu.memory_space<semaphore_mem>>) src(%dma_wait3A_415 : memref<8x2048xf32, #tpu.memory_space<vmem>>) dst(%dma_wait3A_411 : memref<8x2048xf32, #tpu.memory_space<hbm>>)
    %dma_wait3A_416 = arith.constant 6 : i32
    %dma_wait3A_417 = arith.constant 6 : i32
    %dma_wait3A_418 = arith.constant 0 : i32
    %dma_wait3A_419 = arith.constant 0 : i32
    %dma_wait3A_420 = tpu.memref_slice %arg6[%dma_wait3A_416, %dma_wait3A_418, %dma_wait3A_419] : memref<7x8x2048xf32, #tpu.memory_space<vmem>> -> memref<1x8x2048xf32, #tpu.memory_space<vmem>>
    %dma_wait3A_421 = tpu.memref_squeeze %dma_wait3A_420 : memref<1x8x2048xf32, #tpu.memory_space<vmem>> -> memref<8x2048xf32, #tpu.memory_space<vmem>>
    %dma_wait3A_422 = arith.constant 1000 : i32
    %dma_wait3A_423 = tpu.memref_slice %arg5[%dma_wait3A_422] : memref<1024xi32, #tpu.memory_space<vmem>> -> memref<8xi32, #tpu.memory_space<vmem>>
    %dma_wait3A_424 = arith.constant 0 : i32
    %dma_wait3A_425 = arith.constant 0 : i32
    %dma_wait3A_426 = tpu.memref_slice %arg3[%dma_wait3A_424, %dma_wait3A_425] : memref<8192x2048xf32, #tpu.memory_space<hbm>> -> memref<8192x2048xf32, #tpu.memory_space<hbm>>
    %dma_wait3A_427 = tpu.memref_slice %arg7[%dma_wait3A_417] : memref<7x!tpu.dma_semaphore, #tpu.memory_space<semaphore_mem>> -> memref<1x!tpu.dma_semaphore, #tpu.memory_space<semaphore_mem>>
    %dma_wait3A_428 = tpu.memref_squeeze %dma_wait3A_427 : memref<1x!tpu.dma_semaphore, #tpu.memory_space<semaphore_mem>> -> memref<!tpu.dma_semaphore, #tpu.memory_space<semaphore_mem>>
    tpu.wait_indirect_dma semaphore(%dma_wait3A_428 : memref<!tpu.dma_semaphore, #tpu.memory_space<semaphore_mem>>) src(%dma_wait3A_426 : memref<8192x2048xf32, #tpu.memory_space<hbm>>) dst(%dma_wait3A_421 : memref<8x2048xf32, #tpu.memory_space<vmem>>)
    %add3A_429 = arith.constant 1000 : i32
    %add3A_430 = arith.addi %mul3A_2, %add3A_429 : i32
    %dma_start3A_431 = arith.constant 6 : i32
    %dma_start3A_432 = arith.constant 6 : i32
    %dma_start3A_433 = arith.constant 0 : i32
    %dma_start3A_434 = arith.constant 0 : i32
    %dma_start3A_435 = tpu.memref_slice %arg6[%dma_start3A_431, %dma_start3A_433, %dma_start3A_434] : memref<7x8x2048xf32, #tpu.memory_space<vmem>> -> memref<1x8x2048xf32, #tpu.memory_space<vmem>>
    %dma_start3A_436 = tpu.memref_squeeze %dma_start3A_435 : memref<1x8x2048xf32, #tpu.memory_space<vmem>> -> memref<8x2048xf32, #tpu.memory_space<vmem>>
    %dma_start3A_437 = arith.constant 0 : i32
    %dma_start3A_438 = tpu.memref_slice %arg4[%add3A_430, %dma_start3A_437] : memref<32768x2048xf32, #tpu.memory_space<hbm>> -> memref<8x2048xf32, #tpu.memory_space<hbm>>
    %dma_start3A_439 = tpu.memref_slice %arg8[%dma_start3A_432] : memref<7x!tpu.dma_semaphore, #tpu.memory_space<semaphore_mem>> -> memref<1x!tpu.dma_semaphore, #tpu.memory_space<semaphore_mem>>
    %dma_start3A_440 = tpu.memref_squeeze %dma_start3A_439 : memref<1x!tpu.dma_semaphore, #tpu.memory_space<semaphore_mem>> -> memref<!tpu.dma_semaphore, #tpu.memory_space<semaphore_mem>>
    %dma_start3A_441 = arith.constant 0 : i32
    %dma_start3A_442 = tpu.memref_slice %arg4[%add3A_430, %dma_start3A_441] : memref<32768x2048xf32, #tpu.memory_space<hbm>> -> memref<8x2048xf32, #tpu.memory_space<hbm>>
    %dma_start3A_443 = arith.constant 0 : i32
    %dma_start3A_444 = arith.constant 0 : i32
    %dma_start3A_445 = tpu.memref_slice %arg6[%dma_start3A_431, %dma_start3A_443, %dma_start3A_444] : memref<7x8x2048xf32, #tpu.memory_space<vmem>> -> memref<1x8x2048xf32, #tpu.memory_space<vmem>>
    %dma_start3A_446 = tpu.memref_squeeze %dma_start3A_445 : memref<1x8x2048xf32, #tpu.memory_space<vmem>> -> memref<8x2048xf32, #tpu.memory_space<vmem>>
    tpu.enqueue_dma source(%dma_start3A_446 : memref<8x2048xf32, #tpu.memory_space<vmem>>) target(%dma_start3A_442 : memref<8x2048xf32, #tpu.memory_space<hbm>>) target_semaphore(%dma_start3A_440 : memref<!tpu.dma_semaphore, #tpu.memory_space<semaphore_mem>>)
    %add3A_447 = arith.constant 1000 : i32
    %add3A_448 = arith.addi %mul3A_2, %add3A_447 : i32
    %dma_wait3A_449 = arith.constant 6 : i32
    %dma_wait3A_450 = arith.constant 6 : i32
    %dma_wait3A_451 = arith.constant 0 : i32
    %dma_wait3A_452 = arith.constant 0 : i32
    %dma_wait3A_453 = tpu.memref_slice %arg6[%dma_wait3A_449, %dma_wait3A_451, %dma_wait3A_452] : memref<7x8x2048xf32, #tpu.memory_space<vmem>> -> memref<1x8x2048xf32, #tpu.memory_space<vmem>>
    %dma_wait3A_454 = tpu.memref_squeeze %dma_wait3A_453 : memref<1x8x2048xf32, #tpu.memory_space<vmem>> -> memref<8x2048xf32, #tpu.memory_space<vmem>>
    %dma_wait3A_455 = arith.constant 0 : i32
    %dma_wait3A_456 = tpu.memref_slice %arg4[%add3A_448, %dma_wait3A_455] : memref<32768x2048xf32, #tpu.memory_space<hbm>> -> memref<8x2048xf32, #tpu.memory_space<hbm>>
    %dma_wait3A_457 = tpu.memref_slice %arg8[%dma_wait3A_450] : memref<7x!tpu.dma_semaphore, #tpu.memory_space<semaphore_mem>> -> memref<1x!tpu.dma_semaphore, #tpu.memory_space<semaphore_mem>>
    %dma_wait3A_458 = tpu.memref_squeeze %dma_wait3A_457 : memref<1x!tpu.dma_semaphore, #tpu.memory_space<semaphore_mem>> -> memref<!tpu.dma_semaphore, #tpu.memory_space<semaphore_mem>>
    %dma_wait3A_459 = arith.constant 0 : i32
    %dma_wait3A_460 = tpu.memref_slice %arg4[%add3A_448, %dma_wait3A_459] : memref<32768x2048xf32, #tpu.memory_space<hbm>> -> memref<8x2048xf32, #tpu.memory_space<hbm>>
    %dma_wait3A_461 = arith.constant 0 : i32
    %dma_wait3A_462 = arith.constant 0 : i32
    %dma_wait3A_463 = tpu.memref_slice %arg6[%dma_wait3A_449, %dma_wait3A_461, %dma_wait3A_462] : memref<7x8x2048xf32, #tpu.memory_space<vmem>> -> memref<1x8x2048xf32, #tpu.memory_space<vmem>>
    %dma_wait3A_464 = tpu.memref_squeeze %dma_wait3A_463 : memref<1x8x2048xf32, #tpu.memory_space<vmem>> -> memref<8x2048xf32, #tpu.memory_space<vmem>>
    tpu.wait_dma2 semaphore(%dma_wait3A_458 : memref<!tpu.dma_semaphore, #tpu.memory_space<semaphore_mem>>) src(%dma_wait3A_464 : memref<8x2048xf32, #tpu.memory_space<vmem>>) dst(%dma_wait3A_460 : memref<8x2048xf32, #tpu.memory_space<hbm>>)
    %dma_wait3A_465 = arith.constant 0 : i32
    %dma_wait3A_466 = arith.constant 0 : i32
    %dma_wait3A_467 = arith.constant 0 : i32
    %dma_wait3A_468 = arith.constant 0 : i32
    %dma_wait3A_469 = tpu.memref_slice %arg6[%dma_wait3A_465, %dma_wait3A_467, %dma_wait3A_468] : memref<7x8x2048xf32, #tpu.memory_space<vmem>> -> memref<1x8x2048xf32, #tpu.memory_space<vmem>>
    %dma_wait3A_470 = tpu.memref_squeeze %dma_wait3A_469 : memref<1x8x2048xf32, #tpu.memory_space<vmem>> -> memref<8x2048xf32, #tpu.memory_space<vmem>>
    %dma_wait3A_471 = arith.constant 1008 : i32
    %dma_wait3A_472 = tpu.memref_slice %arg5[%dma_wait3A_471] : memref<1024xi32, #tpu.memory_space<vmem>> -> memref<8xi32, #tpu.memory_space<vmem>>
    %dma_wait3A_473 = arith.constant 0 : i32
    %dma_wait3A_474 = arith.constant 0 : i32
    %dma_wait3A_475 = tpu.memref_slice %arg3[%dma_wait3A_473, %dma_wait3A_474] : memref<8192x2048xf32, #tpu.memory_space<hbm>> -> memref<8192x2048xf32, #tpu.memory_space<hbm>>
    %dma_wait3A_476 = tpu.memref_slice %arg7[%dma_wait3A_466] : memref<7x!tpu.dma_semaphore, #tpu.memory_space<semaphore_mem>> -> memref<1x!tpu.dma_semaphore, #tpu.memory_space<semaphore_mem>>
    %dma_wait3A_477 = tpu.memref_squeeze %dma_wait3A_476 : memref<1x!tpu.dma_semaphore, #tpu.memory_space<semaphore_mem>> -> memref<!tpu.dma_semaphore, #tpu.memory_space<semaphore_mem>>
    tpu.wait_indirect_dma semaphore(%dma_wait3A_477 : memref<!tpu.dma_semaphore, #tpu.memory_space<semaphore_mem>>) src(%dma_wait3A_475 : memref<8192x2048xf32, #tpu.memory_space<hbm>>) dst(%dma_wait3A_470 : memref<8x2048xf32, #tpu.memory_space<vmem>>)
    %add3A_478 = arith.constant 1008 : i32
    %add3A_479 = arith.addi %mul3A_2, %add3A_478 : i32
    %dma_start3A_480 = arith.constant 0 : i32
    %dma_start3A_481 = arith.constant 0 : i32
    %dma_start3A_482 = arith.constant 0 : i32
    %dma_start3A_483 = arith.constant 0 : i32
    %dma_start3A_484 = tpu.memref_slice %arg6[%dma_start3A_480, %dma_start3A_482, %dma_start3A_483] : memref<7x8x2048xf32, #tpu.memory_space<vmem>> -> memref<1x8x2048xf32, #tpu.memory_space<vmem>>
    %dma_start3A_485 = tpu.memref_squeeze %dma_start3A_484 : memref<1x8x2048xf32, #tpu.memory_space<vmem>> -> memref<8x2048xf32, #tpu.memory_space<vmem>>
    %dma_start3A_486 = arith.constant 0 : i32
    %dma_start3A_487 = tpu.memref_slice %arg4[%add3A_479, %dma_start3A_486] : memref<32768x2048xf32, #tpu.memory_space<hbm>> -> memref<8x2048xf32, #tpu.memory_space<hbm>>
    %dma_start3A_488 = tpu.memref_slice %arg8[%dma_start3A_481] : memref<7x!tpu.dma_semaphore, #tpu.memory_space<semaphore_mem>> -> memref<1x!tpu.dma_semaphore, #tpu.memory_space<semaphore_mem>>
    %dma_start3A_489 = tpu.memref_squeeze %dma_start3A_488 : memref<1x!tpu.dma_semaphore, #tpu.memory_space<semaphore_mem>> -> memref<!tpu.dma_semaphore, #tpu.memory_space<semaphore_mem>>
    %dma_start3A_490 = arith.constant 0 : i32
    %dma_start3A_491 = tpu.memref_slice %arg4[%add3A_479, %dma_start3A_490] : memref<32768x2048xf32, #tpu.memory_space<hbm>> -> memref<8x2048xf32, #tpu.memory_space<hbm>>
    %dma_start3A_492 = arith.constant 0 : i32
    %dma_start3A_493 = arith.constant 0 : i32
    %dma_start3A_494 = tpu.memref_slice %arg6[%dma_start3A_480, %dma_start3A_492, %dma_start3A_493] : memref<7x8x2048xf32, #tpu.memory_space<vmem>> -> memref<1x8x2048xf32, #tpu.memory_space<vmem>>
    %dma_start3A_495 = tpu.memref_squeeze %dma_start3A_494 : memref<1x8x2048xf32, #tpu.memory_space<vmem>> -> memref<8x2048xf32, #tpu.memory_space<vmem>>
    tpu.enqueue_dma source(%dma_start3A_495 : memref<8x2048xf32, #tpu.memory_space<vmem>>) target(%dma_start3A_491 : memref<8x2048xf32, #tpu.memory_space<hbm>>) target_semaphore(%dma_start3A_489 : memref<!tpu.dma_semaphore, #tpu.memory_space<semaphore_mem>>)
    %add3A_496 = arith.constant 1008 : i32
    %add3A_497 = arith.addi %mul3A_2, %add3A_496 : i32
    %dma_wait3A_498 = arith.constant 0 : i32
    %dma_wait3A_499 = arith.constant 0 : i32
    %dma_wait3A_500 = arith.constant 0 : i32
    %dma_wait3A_501 = arith.constant 0 : i32
    %dma_wait3A_502 = tpu.memref_slice %arg6[%dma_wait3A_498, %dma_wait3A_500, %dma_wait3A_501] : memref<7x8x2048xf32, #tpu.memory_space<vmem>> -> memref<1x8x2048xf32, #tpu.memory_space<vmem>>
    %dma_wait3A_503 = tpu.memref_squeeze %dma_wait3A_502 : memref<1x8x2048xf32, #tpu.memory_space<vmem>> -> memref<8x2048xf32, #tpu.memory_space<vmem>>
    %dma_wait3A_504 = arith.constant 0 : i32
    %dma_wait3A_505 = tpu.memref_slice %arg4[%add3A_497, %dma_wait3A_504] : memref<32768x2048xf32, #tpu.memory_space<hbm>> -> memref<8x2048xf32, #tpu.memory_space<hbm>>
    %dma_wait3A_506 = tpu.memref_slice %arg8[%dma_wait3A_499] : memref<7x!tpu.dma_semaphore, #tpu.memory_space<semaphore_mem>> -> memref<1x!tpu.dma_semaphore, #tpu.memory_space<semaphore_mem>>
    %dma_wait3A_507 = tpu.memref_squeeze %dma_wait3A_506 : memref<1x!tpu.dma_semaphore, #tpu.memory_space<semaphore_mem>> -> memref<!tpu.dma_semaphore, #tpu.memory_space<semaphore_mem>>
    %dma_wait3A_508 = arith.constant 0 : i32
    %dma_wait3A_509 = tpu.memref_slice %arg4[%add3A_497, %dma_wait3A_508] : memref<32768x2048xf32, #tpu.memory_space<hbm>> -> memref<8x2048xf32, #tpu.memory_space<hbm>>
    %dma_wait3A_510 = arith.constant 0 : i32
    %dma_wait3A_511 = arith.constant 0 : i32
    %dma_wait3A_512 = tpu.memref_slice %arg6[%dma_wait3A_498, %dma_wait3A_510, %dma_wait3A_511] : memref<7x8x2048xf32, #tpu.memory_space<vmem>> -> memref<1x8x2048xf32, #tpu.memory_space<vmem>>
    %dma_wait3A_513 = tpu.memref_squeeze %dma_wait3A_512 : memref<1x8x2048xf32, #tpu.memory_space<vmem>> -> memref<8x2048xf32, #tpu.memory_space<vmem>>
    tpu.wait_dma2 semaphore(%dma_wait3A_507 : memref<!tpu.dma_semaphore, #tpu.memory_space<semaphore_mem>>) src(%dma_wait3A_513 : memref<8x2048xf32, #tpu.memory_space<vmem>>) dst(%dma_wait3A_509 : memref<8x2048xf32, #tpu.memory_space<hbm>>)
    %dma_wait3A_514 = arith.constant 1 : i32
    %dma_wait3A_515 = arith.constant 1 : i32
    %dma_wait3A_516 = arith.constant 0 : i32
    %dma_wait3A_517 = arith.constant 0 : i32
    %dma_wait3A_518 = tpu.memref_slice %arg6[%dma_wait3A_514, %dma_wait3A_516, %dma_wait3A_517] : memref<7x8x2048xf32, #tpu.memory_space<vmem>> -> memref<1x8x2048xf32, #tpu.memory_space<vmem>>
    %dma_wait3A_519 = tpu.memref_squeeze %dma_wait3A_518 : memref<1x8x2048xf32, #tpu.memory_space<vmem>> -> memref<8x2048xf32, #tpu.memory_space<vmem>>
    %dma_wait3A_520 = arith.constant 1016 : i32
    %dma_wait3A_521 = tpu.memref_slice %arg5[%dma_wait3A_520] : memref<1024xi32, #tpu.memory_space<vmem>> -> memref<8xi32, #tpu.memory_space<vmem>>
    %dma_wait3A_522 = arith.constant 0 : i32
    %dma_wait3A_523 = arith.constant 0 : i32
    %dma_wait3A_524 = tpu.memref_slice %arg3[%dma_wait3A_522, %dma_wait3A_523] : memref<8192x2048xf32, #tpu.memory_space<hbm>> -> memref<8192x2048xf32, #tpu.memory_space<hbm>>
    %dma_wait3A_525 = tpu.memref_slice %arg7[%dma_wait3A_515] : memref<7x!tpu.dma_semaphore, #tpu.memory_space<semaphore_mem>> -> memref<1x!tpu.dma_semaphore, #tpu.memory_space<semaphore_mem>>
    %dma_wait3A_526 = tpu.memref_squeeze %dma_wait3A_525 : memref<1x!tpu.dma_semaphore, #tpu.memory_space<semaphore_mem>> -> memref<!tpu.dma_semaphore, #tpu.memory_space<semaphore_mem>>
    tpu.wait_indirect_dma semaphore(%dma_wait3A_526 : memref<!tpu.dma_semaphore, #tpu.memory_space<semaphore_mem>>) src(%dma_wait3A_524 : memref<8192x2048xf32, #tpu.memory_space<hbm>>) dst(%dma_wait3A_519 : memref<8x2048xf32, #tpu.memory_space<vmem>>)
    %add3A_527 = arith.constant 1016 : i32
    %add3A_528 = arith.addi %mul3A_2, %add3A_527 : i32
    %dma_start3A_529 = arith.constant 1 : i32
    %dma_start3A_530 = arith.constant 1 : i32
    %dma_start3A_531 = arith.constant 0 : i32
    %dma_start3A_532 = arith.constant 0 : i32
    %dma_start3A_533 = tpu.memref_slice %arg6[%dma_start3A_529, %dma_start3A_531, %dma_start3A_532] : memref<7x8x2048xf32, #tpu.memory_space<vmem>> -> memref<1x8x2048xf32, #tpu.memory_space<vmem>>
    %dma_start3A_534 = tpu.memref_squeeze %dma_start3A_533 : memref<1x8x2048xf32, #tpu.memory_space<vmem>> -> memref<8x2048xf32, #tpu.memory_space<vmem>>
    %dma_start3A_535 = arith.constant 0 : i32
    %dma_start3A_536 = tpu.memref_slice %arg4[%add3A_528, %dma_start3A_535] : memref<32768x2048xf32, #tpu.memory_space<hbm>> -> memref<8x2048xf32, #tpu.memory_space<hbm>>
    %dma_start3A_537 = tpu.memref_slice %arg8[%dma_start3A_530] : memref<7x!tpu.dma_semaphore, #tpu.memory_space<semaphore_mem>> -> memref<1x!tpu.dma_semaphore, #tpu.memory_space<semaphore_mem>>
    %dma_start3A_538 = tpu.memref_squeeze %dma_start3A_537 : memref<1x!tpu.dma_semaphore, #tpu.memory_space<semaphore_mem>> -> memref<!tpu.dma_semaphore, #tpu.memory_space<semaphore_mem>>
    %dma_start3A_539 = arith.constant 0 : i32
    %dma_start3A_540 = tpu.memref_slice %arg4[%add3A_528, %dma_start3A_539] : memref<32768x2048xf32, #tpu.memory_space<hbm>> -> memref<8x2048xf32, #tpu.memory_space<hbm>>
    %dma_start3A_541 = arith.constant 0 : i32
    %dma_start3A_542 = arith.constant 0 : i32
    %dma_start3A_543 = tpu.memref_slice %arg6[%dma_start3A_529, %dma_start3A_541, %dma_start3A_542] : memref<7x8x2048xf32, #tpu.memory_space<vmem>> -> memref<1x8x2048xf32, #tpu.memory_space<vmem>>
    %dma_start3A_544 = tpu.memref_squeeze %dma_start3A_543 : memref<1x8x2048xf32, #tpu.memory_space<vmem>> -> memref<8x2048xf32, #tpu.memory_space<vmem>>
    tpu.enqueue_dma source(%dma_start3A_544 : memref<8x2048xf32, #tpu.memory_space<vmem>>) target(%dma_start3A_540 : memref<8x2048xf32, #tpu.memory_space<hbm>>) target_semaphore(%dma_start3A_538 : memref<!tpu.dma_semaphore, #tpu.memory_space<semaphore_mem>>)
    %add3A_545 = arith.constant 1016 : i32
    %add3A_546 = arith.addi %mul3A_2, %add3A_545 : i32
    %dma_wait3A_547 = arith.constant 1 : i32
    %dma_wait3A_548 = arith.constant 1 : i32
    %dma_wait3A_549 = arith.constant 0 : i32
    %dma_wait3A_550 = arith.constant 0 : i32
    %dma_wait3A_551 = tpu.memref_slice %arg6[%dma_wait3A_547, %dma_wait3A_549, %dma_wait3A_550] : memref<7x8x2048xf32, #tpu.memory_space<vmem>> -> memref<1x8x2048xf32, #tpu.memory_space<vmem>>
    %dma_wait3A_552 = tpu.memref_squeeze %dma_wait3A_551 : memref<1x8x2048xf32, #tpu.memory_space<vmem>> -> memref<8x2048xf32, #tpu.memory_space<vmem>>
    %dma_wait3A_553 = arith.constant 0 : i32
    %dma_wait3A_554 = tpu.memref_slice %arg4[%add3A_546, %dma_wait3A_553] : memref<32768x2048xf32, #tpu.memory_space<hbm>> -> memref<8x2048xf32, #tpu.memory_space<hbm>>
    %dma_wait3A_555 = tpu.memref_slice %arg8[%dma_wait3A_548] : memref<7x!tpu.dma_semaphore, #tpu.memory_space<semaphore_mem>> -> memref<1x!tpu.dma_semaphore, #tpu.memory_space<semaphore_mem>>
    %dma_wait3A_556 = tpu.memref_squeeze %dma_wait3A_555 : memref<1x!tpu.dma_semaphore, #tpu.memory_space<semaphore_mem>> -> memref<!tpu.dma_semaphore, #tpu.memory_space<semaphore_mem>>
    %dma_wait3A_557 = arith.constant 0 : i32
    %dma_wait3A_558 = tpu.memref_slice %arg4[%add3A_546, %dma_wait3A_557] : memref<32768x2048xf32, #tpu.memory_space<hbm>> -> memref<8x2048xf32, #tpu.memory_space<hbm>>
    %dma_wait3A_559 = arith.constant 0 : i32
    %dma_wait3A_560 = arith.constant 0 : i32
    %dma_wait3A_561 = tpu.memref_slice %arg6[%dma_wait3A_547, %dma_wait3A_559, %dma_wait3A_560] : memref<7x8x2048xf32, #tpu.memory_space<vmem>> -> memref<1x8x2048xf32, #tpu.memory_space<vmem>>
    %dma_wait3A_562 = tpu.memref_squeeze %dma_wait3A_561 : memref<1x8x2048xf32, #tpu.memory_space<vmem>> -> memref<8x2048xf32, #tpu.memory_space<vmem>>
    tpu.wait_dma2 semaphore(%dma_wait3A_556 : memref<!tpu.dma_semaphore, #tpu.memory_space<semaphore_mem>>) src(%dma_wait3A_562 : memref<8x2048xf32, #tpu.memory_space<vmem>>) dst(%dma_wait3A_558 : memref<8x2048xf32, #tpu.memory_space<hbm>>)
    return
  }
}

</mosaic_0001>

<sc_bundles>
// kernel: kernel.3.cloned.1.call-start
scs
__scs_entry_jumppad:
0x0: {  	(pc) =	sbr.rel $0x88, $3  }
0x1: {  	(tag) =	ssettag $0x0;
	lr =	simm.s32 $0x1  }
0x2: {  	[smem:$0x3F9F] =	sst lr;
	_ =	strace $0xD0000000  }
0x3: {  	_ = 	snop  }
0x4: {  	_ = 	snop  }
0x5: {  	_ = 	snop  }
0x6: {  	_ = 	snop  }
0x7: {  	_ = 	snop  }
__scs_overlays_trampoline_lowered:
0x8: {  	[smem:$0x3FAE] =	sst s0  }
0x9: {  	[smem:$0x3FAF] =	sst s1  }
0xa: {  	[smem:$0x3FB0] =	sst s2  }
0xb: {  	[smem:$0x3FB1] =	sst s3  }
0xc: {  	[smem:$0x3FB2] =	sst s4  }
0xd: {  	[smem:$0x3FB3] =	sst s5  }
0xe: {  	[smem:$0x3FB4] =	sst s6  }
0xf: {  	[smem:$0x3FB5] =	sst s7  }
0x10: {  	[smem:$0x3FB6] =	sst s8  }
0x11: {  	[smem:$0x3FB7] =	sst s9;
	s0 =	simm.s32 @!p0 $0x0  }
0x12: {  	s1 =	sld [smem:$0x3F9D];
	s0 =	simm.s32 @p0 $0x1  }
0x13: {  	[smem:$0x3FB8] =	sst s0;
	s0 =	simm.s32 @!p1 $0x0  }
0x14: {  	s2 =	sld [smem:$0x3F9C];
	s0 =	simm.s32 @p1 $0x1  }
0x15: {  	[smem:$0x3FB9] =	sst s0;
	s0 =	simm.s32 @!p2 $0x0  }
0x16: {  	s3 =	sld [smem:$0x3FDB];
	s0 =	simm.s32 @p2 $0x1  }
0x17: {  	s4 =	simm.s32 $0x1BF5;
	[smem:$0x3FBB] =	sst s0  }
0x18: {  	s0 =	sld [smem:$0x3F9E];
	_ =	swait.ge [sflag:s4], $0x0  }
0x19: {  	s7 =	sld [smem:$0x3F9F]  }
0x1a: {  	s8 =	sadd.s32 $0xFFFFE003, lr  }
0x1b: {  	s9 =	sadd.s32 $0xFFFFFEF7, lr;
	s5 =	simm.s32 $0xFFFFFFFF;
	p2 =	slt.u32 s8, $0xFFFFF086  }
0x1c: {  	p1 =	slt.u32 s9, $0xF7A;
	s5 =	simm.s32 @!p2 $0x0  }
0x1d: {  	s5 =	simm.s32 @p1 $0x1;
	p0 =	seq.s32 s7, s2  }
0x1e: {  	s7 =	smul.u32 @!p0 $0xF7A, s2;
	p2 =	seq.s32 @!p0 s5, $0x0  }
0x1f: {  	s9 =	smul.u32 $0xF7A, s1;
	s8 =	simm.s32 @!p0 $0x1BF5;
	p2 =	por !p2, p0  }
0x20: {  	[sflag:s8] =	ssyncset.s32 @!p0 $0xFFFFF086;
	s6 =	sadd.s32 @!p0 s3, s7;
	s7 =	simm.s32 @!p0 $0x108  }
0x21: {  	s3 =	sadd.s32 s3, s9;
	s6 =	sadd.s32 @!p0 $0x88, s6;
	s7 =	simm.s32 @p2 $0x1082  }
0x22: {  	[simem:s7], [sflag:s8] =	dma.local @!p0 [hbm:s6], $0xF7A  }
0x23: {  	s9 =	sor.u32 $0xD0000000, s2;
	s6 =	simm.s32 $0x108;
	_ =	swait.ge @!p0 [sflag:s8], $0x0  }
0x24: {  	s3 =	sadd.s32 $0x88, s3;
	s6 =	simm.s32 @!p1 $0x1082;
	[sflag:s4] =	ssyncset.s32 $0xFFFFF086  }
0x25: {  	[simem:s6], [sflag:s4] =	dma.local [hbm:s3], $0xF7A  }
0x26: {  	[smem:$0x3F9F] =	sst s1;
	(tag) =	ssettag s2;
	_ =	strace s9  }
0x27: {  	s1 =	sld [smem:$0x3FAF]  }
0x28: {  	s2 =	sld [smem:$0x3FB0]  }
0x29: {  	s4 =	sld [smem:$0x3FB2]  }
0x2a: {  	p0 =	seq.s32 s5, $0x0;
	s5 =	sld [smem:$0x3FB3]  }
0x2b: {  	s6 =	sld [smem:$0x3FB4]  }
0x2c: {  	s7 =	sld [smem:$0x3FB5]  }
0x2d: {  	s3 =	simm.s32 $0x108;
	s8 =	sld [smem:$0x3FB6]  }
0x2e: {  	s3 =	simm.s32 @!p0 $0x1082;
	s9 =	sld [smem:$0x3FB7]  }
0x2f: {  	lr =	sadd.s32 s0, s3;
	s0 =	sld [smem:$0x3FAE]  }
0x30: {  	s3 =	sld [smem:$0x3FB1]  }
0x31: {  	[smem:$0x3FBA] =	sst s10  }
0x32: {  	s10 =	sld [smem:$0x3FB8];
	_ =	sdelay $0x3  }
0x33: {  	p0 =	seq.s32 s10, $0x1;
	s10 =	sld [smem:$0x3FBA];
	_ =	sdelay $0x3  }
0x34: {  	[smem:$0x3FBA] =	sst s10  }
0x35: {  	s10 =	sld [smem:$0x3FB9];
	_ =	sdelay $0x3  }
0x36: {  	p1 =	seq.s32 s10, $0x1;
	s10 =	sld [smem:$0x3FBA];
	_ =	sdelay $0x3  }
0x37: {  	[smem:$0x3FBA] =	sst s10  }
0x38: {  	s10 =	sld [smem:$0x3FBB]  }
0x39: {  	_ = 	snop;
	(pc) =	sbr.ind lr, $3  }
0x3a: {  	_ = 	snop  }
0x3b: {  	_ = 	snop  }
0x3c: {  	p2 =	seq.s32 s10, $0x1;
	s10 =	sld [smem:$0x3FBA]  }
0x3d: {  	_ =	shalt  }
0x3e: {  	_ =	shalt  }
0x3f: {  	_ =	shalt  }
0x40: {  	_ =	shalt  }
0x41: {  	_ =	shalt  }
0x42: {  	_ =	shalt  }
0x43: {  	_ =	shalt  }
0x44: {  	_ =	shalt  }
0x45: {  	_ =	shalt  }
0x46: {  	_ =	shalt  }
0x47: {  	_ =	shalt  }
0x48: {  	_ =	shalt  }
0x49: {  	_ =	shalt  }
0x4a: {  	_ =	shalt  }
0x4b: {  	_ =	shalt  }
0x4c: {  	_ =	shalt  }
0x4d: {  	_ =	shalt  }
0x4e: {  	_ =	shalt  }
0x4f: {  	_ =	shalt  }
0x50: {  	_ =	shalt  }
0x51: {  	_ =	shalt  }
0x52: {  	_ =	shalt  }
0x53: {  	_ =	shalt  }
0x54: {  	_ =	shalt  }
0x55: {  	_ =	shalt  }
0x56: {  	_ =	shalt  }
0x57: {  	_ =	shalt  }
0x58: {  	_ =	shalt  }
0x59: {  	_ =	shalt  }
0x5a: {  	_ =	shalt  }
0x5b: {  	_ =	shalt  }
0x5c: {  	_ =	shalt  }
0x5d: {  	_ =	shalt  }
0x5e: {  	_ =	shalt  }
0x5f: {  	_ =	shalt  }
0x60: {  	_ =	shalt  }
0x61: {  	_ =	shalt  }
0x62: {  	_ =	shalt  }
0x63: {  	_ =	shalt  }
0x64: {  	_ =	shalt  }
0x65: {  	_ =	shalt  }
0x66: {  	_ =	shalt  }
0x67: {  	_ =	shalt  }
0x68: {  	_ =	shalt  }
0x69: {  	_ =	shalt  }
0x6a: {  	_ =	shalt  }
0x6b: {  	_ =	shalt  }
0x6c: {  	_ =	shalt  }
0x6d: {  	_ =	shalt  }
0x6e: {  	_ =	shalt  }
0x6f: {  	_ =	shalt  }
0x70: {  	_ =	shalt  }
0x71: {  	_ =	shalt  }
0x72: {  	_ =	shalt  }
0x73: {  	_ =	shalt  }
0x74: {  	_ =	shalt  }
0x75: {  	_ =	shalt  }
0x76: {  	_ =	shalt  }
0x77: {  	_ =	shalt  }
0x78: {  	_ =	shalt  }
0x79: {  	_ =	shalt  }
0x7a: {  	_ =	shalt  }
0x7b: {  	_ =	shalt  }
0x7c: {  	_ =	shalt  }
0x7d: {  	_ =	shalt  }
0x7e: {  	_ =	shalt  }
0x7f: {  	_ =	shalt  }
0x80: {  	_ =	shalt  }
0x81: {  	_ =	shalt  }
0x82: {  	_ =	shalt  }
0x83: {  	_ =	shalt  }
0x84: {  	_ =	shalt  }
0x85: {  	_ =	shalt  }
0x86: {  	_ =	shalt  }
0x87: {  	_ =	shalt  }
.Lfunc_end0:
.L_simem_size_0:
called_computation_lowered:
.L_overlay_start_0:
0x88: {  	s2 =	sld [smem:$0x3FD9]  }
0x89: {  	s3 =	sld [smem:$0x3FFE];
	_ =	sdelay $0x1  }
0x8a: {  	s1 =	srdreg.scid  }
0x8b: {  	s0 =	sand.u32 $0x1, s1  }
0x8c: {  	s18 =	sshll.u32 s0, $0xA;
	s2 =	sadd.s32 s3, s2  }
0x8d: {  	s2 =	sadd.s32 s2, s18  }
0x8e: {  	[smem:$0x3FC6] =	sst s2  }
0x8f: {  	_ = 	snop  }
0x90: {  	s2 =	sld [smem:$0x3FC9]  }
0x91: {  	s19 =	sld [smem:$0x3FC8]  }
0x92: {  	s4 =	sld [smem:$0x3FD0];
	(tm) =	ssettm $0x1  }
0x93: {  	s5 =	sld [smem:$0x3FFB];
	_ =	sdelay $0x3  }
0x94: {  	_ =	strace s5  }
0x95: {  	s5 =	sld [smem:$0x3FFC];
	_ =	sdelay $0x3  }
0x96: {  	_ =	strace s5  }
0x97: {  	s5 =	sld [smem:$0x3FFD];
	_ =	sdelay $0x3  }
0x98: {  	_ =	strace s5  }
0x99: {  	_ =	strace $0x8FFFFFFF  }
0x9a: {  	s20 =	sld [smem:$0x3FDB];
	_ =	sdelay $0x1  }
0x9b: {  	s6 =	simm.s32 $_scs_section_size  }
0x9c: {  	s7 =	simm.s32 $_size__tile_overlayer_lowered;
	s8 =	simm.s32 $_tile_overlayer_lowered  }
0x9d: {  	s23 =	simm.s32 $0x1BFF;
	s22 =	sshll.u32 s8, $0x1;
	s5 =	sadd.s32 s6, s20  }
0x9e: {  	s9 =	simm.s32 $0x0;
	s21 =	sshll.u32 s7, $0x1;
	s7 =	sadd.s32 s22, s5  }
0x9f: {  	[timem:s9], [sflag:s23] =	dma.local [hbm:s7], s21  }
0xa0: {  	_ =	swait.ge [sflag:s23], s21  }
0xa1: {  	s6 =	ssub.s32 $0x0, s21;
	[sflag:s23] =	ssyncset.done $0x0  }
0xa2: {  	[sflag:s23] =	ssyncadd.s32 s6;
	_ =	sdelay $0x1  }
0xa3: {  	s24 =	simm.s32 $0x1B8B  }
0xa4: {  	_ =	swait.ge [sflag:s24], $0x1  }
0xa5: {  	[sflag:s24] =	ssyncset.done $0x0  }
0xa6: {  	s25 =	simm.s32 $0x1B8E;
	[sflag:s24] =	ssyncadd.s32 $0xFFFFFFFF  }
0xa7: {  	s26 =	simm.s32 $execute0_lowered;
	[smem:$0x3FD2] =	sst s25  }
0xa8: {  	s6 =	sshll.u32 s26, $0x1;
	_ =	strace $0x80000046;
	[dreg:$0x1] =	wrdreg $0xFFFFFFFF  }
0xa9: {  	s28 =	simm.s32 $_size_execute0_lowered;
	s5 =	sadd.s32 s5, s6;
	[dreg:$0x0] =	wrdreg $0x0  }
0xaa: {  	s6 =	sshll.u32 s28, $0x1;
	[dreg:$0x2] =	wrdreg s5  }
0xab: {  	[dreg:$0x3] =	wrdreg s6  }
0xac: {  	[dreg:$0x4] =	wrdreg $0xC0  }
0xad: {  	_ =	task [dreg:s9], $0x5FFFF  }
0xae: {  	[dreg:$0x1] =	wrdreg $0xFFFFFFFF  }
0xaf: {  	[dreg:$0x0] =	wrdreg $0x60  }
0xb0: {  	[dreg:$0x2] =	wrdreg s2  }
0xb1: {  	[dreg:$0x3] =	wrdreg s19  }
0xb2: {  	[dreg:$0x4] =	wrdreg s4  }
0xb3: {  	[dreg:$0x5] =	wrdreg $0x9  }
0xb4: {  	_ =	task.clear_ibuf [dreg:s9], $0x6FFFF;
	_ =	strace $0x90000046  }
0xb5: {  	s29 =	simm.s32 $0x9;
	_ =	strace $0x80000048  }
0xb6: {  	_ =	swait.ge [sflag:s29], $0x1  }
0xb7: {  	[sflag:s29] =	ssyncadd.s32 $0xFFFFFFFF  }
0xb8: {  	_ =	strace $0x90000048  }
0xb9: {  	_ =	sfence  }
0xba: {  	s30 =	sld [smem:$0x0];
	_ =	sdelay $0x2  }
0xbb: {  	s31 =	sshll.u32 s1, $0xD;
	s1 =	sshrl.u32 s1, $0x2  }
0xbc: {  	s3 =	sand.u32 $0x4000, s31;
	s1 =	sadd.s32 s1, s30  }
0xbd: {  	s0 =	sor.u32 s3, s0;
	s1 =	sshll.u32 s1, $0x11  }
0xbe: {  	s0 =	sor.u32 s1, s0  }
0xbf: {  	s0 =	sadd.s32 $0x8F2B, s0  }
0xc0: {  	[sflag:s0] =	ssyncadd.remote.s32 $0x1  }
0xc1: {  	_ =	sfence.sel $0xFFFF  }
0xc2: {  	[dreg:$0x0] =	wrdreg $0xFFFFFFFF;
	(pc) =	sbr.abs _section_cstart, $3  }
0xc3: {  	[dreg:$0x1] =	wrdreg $0xFFFFFFFF  }
0xc4: {  	_ =	task.clear_ibuf [dreg:s9], $0x2FFFF;
	_ =	strace $0x9FFFFFFF  }
0xc5: {  	(tm) =	ssettm $0x7FFFFFFF  }
tec
execute0_lowered:
.L_overlay_start_1:
0x0: {  	(tag) =	ssettag $0x1  }
0x1: {  	s0 =	rddreg [dreg:$0x0]  }
0x2: {  	s2 =	rddreg [dreg:$0x1]  }
0x3: {  	s1 =	srdreg.scid;
	s4 =	rddreg [dreg:$0x2]  }
0x4: {  	s13 =	stileid.u32;
	s3 =	simm.s32 $0x0;
	s31 =	simm.s32 $0x8C00  }
0x5: {  	s30 =	simm.s32 $0xC400;
	s15 =	simm.s32 $0x10C00;
	s29 =	simm.s32 $0x14400  }
0x6: {  	s16 =	simm.s32 $0x14C00;
	s28 =	simm.s32 $0x5;
	s1 =	sand.u32 $0x1, s1  }
0x7: {  	s5 =	sshll.u32 s13, $0xB;
	[smem:$0x7FF] =	sst s3;
	s8 =	sadd.s32 $0x400, s2  }
0x8: {  	s9 =	sadd.s32 $0x500, s2;
	s11 =	sadd.s32 $0x700, s2;
	s6 =	sshll.u32 s1, $0xA  }
0x9: {  	s13 =	sshll.u32 s13, $0x13;
	s7 =	ssub.s32 $0x2, s1;
	s10 =	sor.u32 s6, s5  }
0xa: {  	_ =	strace $0x80000047;
	s17 =	sshrl.u32 s7, $0x1;
	s6 =	sshrl.u32 s10, $0x3  }
0xb: {  	s12 =	ssub.s32 s7, s17;
	s18 =	sshll.u32 s10, $0x8;
	s0 =	sadd.s32 s0, s6  }
0xc: {  	s26 =	smax.u32 s12, $0x1;
	[dreg:$0x5] =	wrdreg s0;
	s0 =	sadd.s32 s18, s4  }
0xd: {  	s1 =	sshll.u32 s1, $0x12;
	[dreg:$0xf] =	wrdreg s26;
	s14 =	sadd.s32 $0x3B800, s0  }
0xe: {  	s5 =	sadd.s32 $0x100, s2;
	s19 =	sadd.s32 $0x3C000, s0;
	[dreg:$0x6] =	wrdreg s14  }
0xf: {  	s7 =	sadd.s32 $0x300, s2;
	s20 =	sadd.s32 $0x3C800, s0;
	[dreg:$0x7] =	wrdreg s19  }
0x10: {  	s10 =	sadd.s32 $0x600, s2;
	s21 =	sadd.s32 $0x3D000, s0;
	[dreg:$0x8] =	wrdreg s20  }
0x11: {  	s17 =	simm.s32 $0x18400;
	s22 =	sadd.s32 $0x3D800, s0;
	[dreg:$0x9] =	wrdreg s21  }
0x12: {  	s6 =	sadd.s32 $0x200, s2;
	s23 =	sadd.s32 $0x3E000, s0;
	[dreg:$0xa] =	wrdreg s22  }
0x13: {  	s12 =	simm.s32 $0x9400;
	s24 =	sadd.s32 $0x3E800, s0;
	[dreg:$0xb] =	wrdreg s23  }
0x14: {  	s4 =	sadd.s32 s13, s4;
	s25 =	sadd.s32 $0x3F000, s0;
	[dreg:$0xc] =	wrdreg s24  }
0x15: {  	s26 =	simm.s32 $0x8400;
	s0 =	sadd.s32 $0x3F800, s0;
	[dreg:$0xd] =	wrdreg s25  }
0x16: {  	s18 =	simm.s32 $0xA400;
	s1 =	sadd.s32 s1, s4;
	[dreg:$0xe] =	wrdreg s0  }
0x17: {  	s13 =	simm.s32 $0x10400;
	s4 =	simm.s32 $0x400;
	[dreg:$0x4] =	wrdreg s1  }
0x18: {  	v0 =	vlaneseq.u32;
	s23 =	simm.s32 $0x4400;
	s14 =	simm.s32 $0x9C00;
	s20 =	simm.s32 $0x18C00  }
0x19: {  	v1 =	vshrl.u32 v0, $0x3;
	s1 =	simm.s32 $0x0;
	s22 =	simm.s32 $0xA;
	s24 =	simm.s32 $0x4  }
0x1a: {  	vm0 =	vmmov $0xffff;
	v0 =	vand.u32 $0x7, v0;
	v1 =	vmul.u32 $0x8, v1;
	s25 =	simm.s32 $0x6;
	s19 =	simm.s32 $0xD;
	s21 =	simm.s32 $0x3  }
.LBB2_1:
0x1b: {  	[dreg:$0x10] =	wrdreg s1  }
0x1c: {  	s0 =	rddreg [dreg:$0x5];
	s1 =	simm.s32 $0xF  }
0x1d: {  	[tilespmem:s3], [sflag:$0xF] =	stream.linear.gather [hbm4b:s0+s3], $0x400, $0x38;
	[tilespmem:$0x1C400] =	vst v63  }
0x1e: {  	_ =	swait.ge [sflag:s1], $0x400  }
0x1f: {  	[sflag:s1] =	ssyncset.done $0x0  }
0x20: {  	[sflag:s1] =	ssyncadd.s32 $0xFFFFFC00  }
0x21: {  	v2 =	vld.msk [tilespmem:$0x0], $0xff;
	_ =	sdelay $0x4  }
0x22: {  	v3 =	vshll.u32 v2, $0x4  }
0x23: {  	v2 =	vand.u32 $0x7, v2;
	v3 =	vand.u32 $0xFFFFFF80, v3  }
0x24: {  	v2 =	vor.u32 v2, v3  }
0x25: {  	v2 =	vperm.xlane v2, v0;
	_ =	sdelay $0x1  }
0x26: {  	v2 =	vadd.s32 v1, v2;
	_ =	sdelay $0x4  }
0x27: {  	[tilespmem:s4], [sflag:$0x1] =	stream.indirect_vreg.gather [hbm4b:s2+s3], $0x80, v2, vm0, $0xb8;
	[tilespmem:$0x1C400] =	vst v63  }
0x28: {  	s1 =	simm.s32 $0xC00  }
0x29: {  	[tilespmem:s1], [sflag:$0x1] =	stream.indirect_vreg.gather [hbm4b:s5+s3], $0x80, v2, vm0, $0xb8;
	[tilespmem:$0x1C400] =	vst v63  }
0x2a: {  	s4 =	simm.s32 $0x1400  }
0x2b: {  	[tilespmem:s4], [sflag:$0x1] =	stream.indirect_vreg.gather [hbm4b:s6+s3], $0x80, v2, vm0, $0xb8;
	[tilespmem:$0x1C400] =	vst v63  }
0x2c: {  	s1 =	simm.s32 $0x1C00  }
0x2d: {  	[tilespmem:s1], [sflag:$0x1] =	stream.indirect_vreg.gather [hbm4b:s7+s3], $0x80, v2, vm0, $0xb8;
	[tilespmem:$0x1C400] =	vst v63  }
0x2e: {  	s4 =	simm.s32 $0x2400  }
0x2f: {  	[tilespmem:s4], [sflag:$0x1] =	stream.indirect_vreg.gather [hbm4b:s8+s3], $0x80, v2, vm0, $0xb8;
	[tilespmem:$0x1C400] =	vst v63  }
0x30: {  	s1 =	simm.s32 $0x2C00  }
0x31: {  	[tilespmem:s1], [sflag:$0x1] =	stream.indirect_vreg.gather [hbm4b:s9+s3], $0x80, v2, vm0, $0xb8;
	[tilespmem:$0x1C400] =	vst v63  }
0x32: {  	s4 =	simm.s32 $0x3400  }
0x33: {  	[tilespmem:s4], [sflag:$0x1] =	stream.indirect_vreg.gather [hbm4b:s10+s3], $0x80, v2, vm0, $0xb8;
	[tilespmem:$0x1C400] =	vst v63  }
0x34: {  	s1 =	simm.s32 $0x3C00  }
0x35: {  	[tilespmem:s1], [sflag:$0x1] =	stream.indirect_vreg.gather [hbm4b:s11+s3], $0x80, v2, vm0, $0xb8;
	[tilespmem:$0x1C400] =	vst v63  }
0x36: {  	v2 =	vld.msk [tilespmem:$0x8], $0xff;
	_ =	sdelay $0x4  }
0x37: {  	v3 =	vshll.u32 v2, $0x4  }
0x38: {  	v2 =	vand.u32 $0x7, v2;
	v3 =	vand.u32 $0xFFFFFF80, v3  }
0x39: {  	v2 =	vor.u32 v2, v3  }
0x3a: {  	v2 =	vperm.xlane v2, v0;
	_ =	sdelay $0x1  }
0x3b: {  	v2 =	vadd.s32 v1, v2;
	_ =	sdelay $0x4  }
0x3c: {  	[tilespmem:s23], [sflag:$0x2] =	stream.indirect_vreg.gather [hbm4b:s2+s3], $0x80, v2, vm0, $0xb8;
	[tilespmem:$0x1C400] =	vst v63  }
0x3d: {  	s4 =	simm.s32 $0x4C00  }
0x3e: {  	[tilespmem:s4], [sflag:$0x2] =	stream.indirect_vreg.gather [hbm4b:s5+s3], $0x80, v2, vm0, $0xb8;
	[tilespmem:$0x1C400] =	vst v63  }
0x3f: {  	s23 =	simm.s32 $0x5400  }
0x40: {  	[tilespmem:s23], [sflag:$0x2] =	stream.indirect_vreg.gather [hbm4b:s6+s3], $0x80, v2, vm0, $0xb8;
	[tilespmem:$0x1C400] =	vst v63  }
0x41: {  	s1 =	simm.s32 $0x5C00  }
0x42: {  	[tilespmem:s1], [sflag:$0x2] =	stream.indirect_vreg.gather [hbm4b:s7+s3], $0x80, v2, vm0, $0xb8;
	[tilespmem:$0x1C400] =	vst v63  }
0x43: {  	s4 =	simm.s32 $0x6400  }
0x44: {  	[tilespmem:s4], [sflag:$0x2] =	stream.indirect_vreg.gather [hbm4b:s8+s3], $0x80, v2, vm0, $0xb8;
	[tilespmem:$0x1C400] =	vst v63  }
0x45: {  	s23 =	simm.s32 $0x6C00  }
0x46: {  	[tilespmem:s23], [sflag:$0x2] =	stream.indirect_vreg.gather [hbm4b:s9+s3], $0x80, v2, vm0, $0xb8;
	[tilespmem:$0x1C400] =	vst v63  }
0x47: {  	s1 =	simm.s32 $0x7400  }
0x48: {  	[tilespmem:s1], [sflag:$0x2] =	stream.indirect_vreg.gather [hbm4b:s10+s3], $0x80, v2, vm0, $0xb8;
	[tilespmem:$0x1C400] =	vst v63  }
0x49: {  	s4 =	simm.s32 $0x7C00  }
0x4a: {  	[tilespmem:s4], [sflag:$0x2] =	stream.indirect_vreg.gather [hbm4b:s11+s3], $0x80, v2, vm0, $0xb8;
	[tilespmem:$0x1C400] =	vst v63  }
0x4b: {  	v2 =	vld.msk [tilespmem:$0x10], $0xff;
	_ =	sdelay $0x4  }
0x4c: {  	v3 =	vshll.u32 v2, $0x4  }
0x4d: {  	v2 =	vand.u32 $0x7, v2;
	v3 =	vand.u32 $0xFFFFFF80, v3  }
0x4e: {  	v2 =	vor.u32 v2, v3  }
0x4f: {  	v2 =	vperm.xlane v2, v0;
	_ =	sdelay $0x1  }
0x50: {  	v2 =	vadd.s32 v1, v2;
	_ =	sdelay $0x4  }
0x51: {  	[tilespmem:s26], [sflag:$0x3] =	stream.indirect_vreg.gather [hbm4b:s2+s3], $0x80, v2, vm0, $0xb8;
	[tilespmem:$0x1C400] =	vst v63  }
0x52: {  	_ = 	snop  }
0x53: {  	[tilespmem:s31], [sflag:$0x3] =	stream.indirect_vreg.gather [hbm4b:s5+s3], $0x80, v2, vm0, $0xb8;
	[tilespmem:$0x1C400] =	vst v63  }
0x54: {  	_ = 	snop  }
0x55: {  	[tilespmem:s12], [sflag:$0x3] =	stream.indirect_vreg.gather [hbm4b:s6+s3], $0x80, v2, vm0, $0xb8;
	[tilespmem:$0x1C400] =	vst v63  }
0x56: {  	_ = 	snop  }
0x57: {  	[tilespmem:s14], [sflag:$0x3] =	stream.indirect_vreg.gather [hbm4b:s7+s3], $0x80, v2, vm0, $0xb8;
	[tilespmem:$0x1C400] =	vst v63  }
0x58: {  	_ = 	snop  }
0x59: {  	[tilespmem:s18], [sflag:$0x3] =	stream.indirect_vreg.gather [hbm4b:s8+s3], $0x80, v2, vm0, $0xb8;
	[tilespmem:$0x1C400] =	vst v63  }
0x5a: {  	s18 =	simm.s32 $0xAC00  }
0x5b: {  	[tilespmem:s18], [sflag:$0x3] =	stream.indirect_vreg.gather [hbm4b:s9+s3], $0x80, v2, vm0, $0xb8;
	[tilespmem:$0x1C400] =	vst v63  }
0x5c: {  	s23 =	simm.s32 $0xB400  }
0x5d: {  	[tilespmem:s23], [sflag:$0x3] =	stream.indirect_vreg.gather [hbm4b:s10+s3], $0x80, v2, vm0, $0xb8;
	[tilespmem:$0x1C400] =	vst v63  }
0x5e: {  	s26 =	simm.s32 $0xBC00  }
0x5f: {  	[tilespmem:s26], [sflag:$0x3] =	stream.indirect_vreg.gather [hbm4b:s11+s3], $0x80, v2, vm0, $0xb8;
	[tilespmem:$0x1C400] =	vst v63  }
0x60: {  	v2 =	vld.msk [tilespmem:$0x18], $0xff;
	_ =	sdelay $0x4  }
0x61: {  	v3 =	vshll.u32 v2, $0x4  }
0x62: {  	v2 =	vand.u32 $0x7, v2;
	v3 =	vand.u32 $0xFFFFFF80, v3  }
0x63: {  	v2 =	vor.u32 v2, v3  }
0x64: {  	v2 =	vperm.xlane v2, v0;
	_ =	sdelay $0x1  }
0x65: {  	v2 =	vadd.s32 v1, v2;
	_ =	sdelay $0x4  }
0x66: {  	[tilespmem:s30], [sflag:$0x4] =	stream.indirect_vreg.gather [hbm4b:s2+s3], $0x80, v2, vm0, $0xb8;
	[tilespmem:$0x1C400] =	vst v63  }
0x67: {  	s30 =	simm.s32 $0xCC00  }
0x68: {  	[tilespmem:s30], [sflag:$0x4] =	stream.indirect_vreg.gather [hbm4b:s5+s3], $0x80, v2, vm0, $0xb8;
	[tilespmem:$0x1C400] =	vst v63  }
0x69: {  	s31 =	simm.s32 $0xD400  }
0x6a: {  	[tilespmem:s31], [sflag:$0x4] =	stream.indirect_vreg.gather [hbm4b:s6+s3], $0x80, v2, vm0, $0xb8;
	[tilespmem:$0x1C400] =	vst v63  }
0x6b: {  	s1 =	simm.s32 $0xDC00  }
0x6c: {  	[tilespmem:s1], [sflag:$0x4] =	stream.indirect_vreg.gather [hbm4b:s7+s3], $0x80, v2, vm0, $0xb8;
	[tilespmem:$0x1C400] =	vst v63  }
0x6d: {  	s4 =	simm.s32 $0xE400  }
0x6e: {  	[tilespmem:s4], [sflag:$0x4] =	stream.indirect_vreg.gather [hbm4b:s8+s3], $0x80, v2, vm0, $0xb8;
	[tilespmem:$0x1C400] =	vst v63  }
0x6f: {  	s12 =	simm.s32 $0xEC00  }
0x70: {  	[tilespmem:s12], [sflag:$0x4] =	stream.indirect_vreg.gather [hbm4b:s9+s3], $0x80, v2, vm0, $0xb8;
	[tilespmem:$0x1C400] =	vst v63  }
0x71: {  	s14 =	simm.s32 $0xF400  }
0x72: {  	[tilespmem:s14], [sflag:$0x4] =	stream.indirect_vreg.gather [hbm4b:s10+s3], $0x80, v2, vm0, $0xb8;
	[tilespmem:$0x1C400] =	vst v63  }
0x73: {  	s18 =	simm.s32 $0xFC00  }
0x74: {  	[tilespmem:s18], [sflag:$0x4] =	stream.indirect_vreg.gather [hbm4b:s11+s3], $0x80, v2, vm0, $0xb8;
	[tilespmem:$0x1C400] =	vst v63  }
0x75: {  	v2 =	vld.msk [tilespmem:$0x20], $0xff;
	_ =	sdelay $0x4  }
0x76: {  	v3 =	vshll.u32 v2, $0x4  }
0x77: {  	v2 =	vand.u32 $0x7, v2;
	v3 =	vand.u32 $0xFFFFFF80, v3  }
0x78: {  	v2 =	vor.u32 v2, v3  }
0x79: {  	v2 =	vperm.xlane v2, v0;
	_ =	sdelay $0x1  }
0x7a: {  	v2 =	vadd.s32 v1, v2;
	_ =	sdelay $0x4  }
0x7b: {  	[tilespmem:s13], [sflag:$0x5] =	stream.indirect_vreg.gather [hbm4b:s2+s3], $0x80, v2, vm0, $0xb8;
	[tilespmem:$0x1C400] =	vst v63  }
0x7c: {  	_ = 	snop  }
0x7d: {  	[tilespmem:s15], [sflag:$0x5] =	stream.indirect_vreg.gather [hbm4b:s5+s3], $0x80, v2, vm0, $0xb8;
	[tilespmem:$0x1C400] =	vst v63  }
0x7e: {  	s23 =	simm.s32 $0x11400  }
0x7f: {  	[tilespmem:s23], [sflag:$0x5] =	stream.indirect_vreg.gather [hbm4b:s6+s3], $0x80, v2, vm0, $0xb8;
	[tilespmem:$0x1C400] =	vst v63  }
0x80: {  	s26 =	simm.s32 $0x11C00  }
0x81: {  	[tilespmem:s26], [sflag:$0x5] =	stream.indirect_vreg.gather [hbm4b:s7+s3], $0x80, v2, vm0, $0xb8;
	[tilespmem:$0x1C400] =	vst v63  }
0x82: {  	s30 =	simm.s32 $0x12400  }
0x83: {  	[tilespmem:s30], [sflag:$0x5] =	stream.indirect_vreg.gather [hbm4b:s8+s3], $0x80, v2, vm0, $0xb8;
	[tilespmem:$0x1C400] =	vst v63  }
0x84: {  	s31 =	simm.s32 $0x12C00  }
0x85: {  	[tilespmem:s31], [sflag:$0x5] =	stream.indirect_vreg.gather [hbm4b:s9+s3], $0x80, v2, vm0, $0xb8;
	[tilespmem:$0x1C400] =	vst v63  }
0x86: {  	s1 =	simm.s32 $0x13400  }
0x87: {  	[tilespmem:s1], [sflag:$0x5] =	stream.indirect_vreg.gather [hbm4b:s10+s3], $0x80, v2, vm0, $0xb8;
	[tilespmem:$0x1C400] =	vst v63  }
0x88: {  	s4 =	simm.s32 $0x13C00  }
0x89: {  	[tilespmem:s4], [sflag:$0x5] =	stream.indirect_vreg.gather [hbm4b:s11+s3], $0x80, v2, vm0, $0xb8;
	[tilespmem:$0x1C400] =	vst v63  }
0x8a: {  	v2 =	vld.msk [tilespmem:$0x28], $0xff;
	_ =	sdelay $0x4  }
0x8b: {  	v3 =	vshll.u32 v2, $0x4  }
0x8c: {  	v2 =	vand.u32 $0x7, v2;
	v3 =	vand.u32 $0xFFFFFF80, v3  }
0x8d: {  	v2 =	vor.u32 v2, v3  }
0x8e: {  	v2 =	vperm.xlane v2, v0;
	_ =	sdelay $0x1  }
0x8f: {  	v2 =	vadd.s32 v1, v2;
	_ =	sdelay $0x4  }
0x90: {  	[tilespmem:s29], [sflag:$0x6] =	stream.indirect_vreg.gather [hbm4b:s2+s3], $0x80, v2, vm0, $0xb8;
	[tilespmem:$0x1C400] =	vst v63  }
0x91: {  	_ = 	snop  }
0x92: {  	[tilespmem:s16], [sflag:$0x6] =	stream.indirect_vreg.gather [hbm4b:s5+s3], $0x80, v2, vm0, $0xb8;
	[tilespmem:$0x1C400] =	vst v63  }
0x93: {  	s12 =	simm.s32 $0x15400  }
0x94: {  	[tilespmem:s12], [sflag:$0x6] =	stream.indirect_vreg.gather [hbm4b:s6+s3], $0x80, v2, vm0, $0xb8;
	[tilespmem:$0x1C400] =	vst v63  }
0x95: {  	s13 =	simm.s32 $0x15C00  }
0x96: {  	[tilespmem:s13], [sflag:$0x6] =	stream.indirect_vreg.gather [hbm4b:s7+s3], $0x80, v2, vm0, $0xb8;
	[tilespmem:$0x1C400] =	vst v63  }
0x97: {  	s14 =	simm.s32 $0x16400  }
0x98: {  	[tilespmem:s14], [sflag:$0x6] =	stream.indirect_vreg.gather [hbm4b:s8+s3], $0x80, v2, vm0, $0xb8;
	[tilespmem:$0x1C400] =	vst v63  }
0x99: {  	s15 =	simm.s32 $0x16C00  }
0x9a: {  	[tilespmem:s15], [sflag:$0x6] =	stream.indirect_vreg.gather [hbm4b:s9+s3], $0x80, v2, vm0, $0xb8;
	[tilespmem:$0x1C400] =	vst v63  }
0x9b: {  	s16 =	simm.s32 $0x17400  }
0x9c: {  	[tilespmem:s16], [sflag:$0x6] =	stream.indirect_vreg.gather [hbm4b:s10+s3], $0x80, v2, vm0, $0xb8;
	[tilespmem:$0x1C400] =	vst v63  }
0x9d: {  	s18 =	simm.s32 $0x17C00  }
0x9e: {  	[tilespmem:s18], [sflag:$0x6] =	stream.indirect_vreg.gather [hbm4b:s11+s3], $0x80, v2, vm0, $0xb8;
	[tilespmem:$0x1C400] =	vst v63  }
0x9f: {  	v2 =	vld.msk [tilespmem:$0x30], $0xff;
	_ =	sdelay $0x4  }
0xa0: {  	v3 =	vshll.u32 v2, $0x4  }
0xa1: {  	v2 =	vand.u32 $0x7, v2;
	v3 =	vand.u32 $0xFFFFFF80, v3  }
0xa2: {  	v2 =	vor.u32 v2, v3  }
0xa3: {  	v2 =	vperm.xlane v2, v0;
	_ =	sdelay $0x1  }
0xa4: {  	v2 =	vadd.s32 v1, v2;
	_ =	sdelay $0x4  }
0xa5: {  	[tilespmem:s17], [sflag:$0x7] =	stream.indirect_vreg.gather [hbm4b:s2+s3], $0x80, v2, vm0, $0xb8;
	[tilespmem:$0x1C400] =	vst v63  }
0xa6: {  	_ = 	snop  }
0xa7: {  	[tilespmem:s20], [sflag:$0x7] =	stream.indirect_vreg.gather [hbm4b:s5+s3], $0x80, v2, vm0, $0xb8;
	[tilespmem:$0x1C400] =	vst v63  }
0xa8: {  	s20 =	simm.s32 $0x19400  }
0xa9: {  	[tilespmem:s20], [sflag:$0x7] =	stream.indirect_vreg.gather [hbm4b:s6+s3], $0x80, v2, vm0, $0xb8;
	[tilespmem:$0x1C400] =	vst v63  }
0xaa: {  	s23 =	simm.s32 $0x19C00  }
0xab: {  	[tilespmem:s23], [sflag:$0x7] =	stream.indirect_vreg.gather [hbm4b:s7+s3], $0x80, v2, vm0, $0xb8;
	[tilespmem:$0x1C400] =	vst v63  }
0xac: {  	s26 =	simm.s32 $0x1A400  }
0xad: {  	[tilespmem:s26], [sflag:$0x7] =	stream.indirect_vreg.gather [hbm4b:s8+s3], $0x80, v2, vm0, $0xb8;
	[tilespmem:$0x1C400] =	vst v63  }
0xae: {  	s30 =	simm.s32 $0x1B400;
	s31 =	simm.s32 $0x1BC00;
	s29 =	simm.s32 $0x1AC00  }
0xaf: {  	[tilespmem:s29], [sflag:$0x7] =	stream.indirect_vreg.gather [hbm4b:s9+s3], $0x80, v2, vm0, $0xb8;
	[tilespmem:$0x1C400] =	vst v63  }
0xb0: {  	s1 =	simm.s32 $0x1;
	s4 =	simm.s32 $0xC;
	s12 =	simm.s32 $0x68  }
0xb1: {  	[tilespmem:s30], [sflag:$0x7] =	stream.indirect_vreg.gather [hbm4b:s10+s3], $0x80, v2, vm0, $0xb8;
	[tilespmem:$0x1C400] =	vst v63  }
0xb2: {  	s14 =	simm.s32 $0x7;
	s18 =	simm.s32 $0xB;
	s23 =	simm.s32 $0x0  }
0xb3: {  	[tilespmem:s31], [sflag:$0x7] =	stream.indirect_vreg.gather [hbm4b:s11+s3], $0x80, v2, vm0, $0xb8;
	[tilespmem:$0x1C400] =	vst v63  }
.LBB2_2:
0xb4: {  	_ =	swait.ge [sflag:s1], $0x4000  }
0xb5: {  	s0 =	simm.s32 $0x400;
	s17 =	rddreg [dreg:$0x4];
	[sflag:s1] =	ssyncset.done $0x0  }
0xb6: {  	s13 =	simm.s32 $0x8;
	[sflag:s1] =	ssyncadd.s32 $0xFFFFC000;
	s17 =	sadd.s32 s23, s17  }
0xb7: {  	[hbm4b:s17+s3] =	stream.linear.scatter [tilespmem:s0], [sflag:$0x8], $0x4000, $0x38;
	[tilespmem:$0x1C400] =	vst v63  }
0xb8: {  	_ =	swait.ge [sflag:s13], $0x4000  }
0xb9: {  	[sflag:s13] =	ssyncset.done $0x0  }
0xba: {  	[sflag:s13] =	ssyncadd.s32 $0xFFFFC000  }
0xbb: {  	v2 =	vld.msk [tilespmem:s12+$0xFFFFFFD0], $0xff;
	_ =	sdelay $0x4  }
0xbc: {  	v3 =	vshll.u32 v2, $0x4  }
0xbd: {  	v2 =	vand.u32 $0x7, v2;
	v3 =	vand.u32 $0xFFFFFF80, v3  }
0xbe: {  	v2 =	vor.u32 v2, v3  }
0xbf: {  	v2 =	vperm.xlane v2, v0;
	_ =	sdelay $0x1  }
0xc0: {  	v2 =	vadd.s32 v1, v2;
	_ =	sdelay $0x4  }
0xc1: {  	[tilespmem:s0], [sflag:$0x1] =	stream.indirect_vreg.gather [hbm4b:s2+s3], $0x80, v2, vm0, $0xb8;
	[tilespmem:$0x1C400] =	vst v63  }
0xc2: {  	s26 =	simm.s32 $0xC00  }
0xc3: {  	[tilespmem:s26], [sflag:$0x1] =	stream.indirect_vreg.gather [hbm4b:s5+s3], $0x80, v2, vm0, $0xb8;
	[tilespmem:$0x1C400] =	vst v63  }
0xc4: {  	s13 =	simm.s32 $0x1400  }
0xc5: {  	[tilespmem:s13], [sflag:$0x1] =	stream.indirect_vreg.gather [hbm4b:s6+s3], $0x80, v2, vm0, $0xb8;
	[tilespmem:$0x1C400] =	vst v63  }
0xc6: {  	s15 =	simm.s32 $0x1C00  }
0xc7: {  	[tilespmem:s15], [sflag:$0x1] =	stream.indirect_vreg.gather [hbm4b:s7+s3], $0x80, v2, vm0, $0xb8;
	[tilespmem:$0x1C400] =	vst v63  }
0xc8: {  	s16 =	simm.s32 $0x2400  }
0xc9: {  	[tilespmem:s16], [sflag:$0x1] =	stream.indirect_vreg.gather [hbm4b:s8+s3], $0x80, v2, vm0, $0xb8;
	[tilespmem:$0x1C400] =	vst v63  }
0xca: {  	s20 =	simm.s32 $0x2C00  }
0xcb: {  	[tilespmem:s20], [sflag:$0x1] =	stream.indirect_vreg.gather [hbm4b:s9+s3], $0x80, v2, vm0, $0xb8;
	[tilespmem:$0x1C400] =	vst v63  }
0xcc: {  	s26 =	simm.s32 $0x3400  }
0xcd: {  	[tilespmem:s26], [sflag:$0x1] =	stream.indirect_vreg.gather [hbm4b:s10+s3], $0x80, v2, vm0, $0xb8;
	[tilespmem:$0x1C400] =	vst v63  }
0xce: {  	s13 =	simm.s32 $0x3C00;
	s15 =	simm.s32 $0x2  }
0xcf: {  	[tilespmem:s13], [sflag:$0x1] =	stream.indirect_vreg.gather [hbm4b:s11+s3], $0x80, v2, vm0, $0xb8;
	[tilespmem:$0x1C400] =	vst v63  }
0xd0: {  	_ =	swait.ge [sflag:s15], $0x4000  }
0xd1: {  	s16 =	sadd.s32 $0x800, s17;
	[sflag:s15] =	ssyncset.done $0x0  }
0xd2: {  	s20 =	simm.s32 $0x9;
	s26 =	simm.s32 $0x4400;
	[sflag:s15] =	ssyncadd.s32 $0xFFFFC000  }
0xd3: {  	[hbm4b:s16+s3] =	stream.linear.scatter [tilespmem:s26], [sflag:$0x9], $0x4000, $0x38;
	[tilespmem:$0x1C400] =	vst v63  }
0xd4: {  	_ =	swait.ge [sflag:s20], $0x4000  }
0xd5: {  	[sflag:s20] =	ssyncset.done $0x0  }
0xd6: {  	[sflag:s20] =	ssyncadd.s32 $0xFFFFC000  }
0xd7: {  	v2 =	vld.msk [tilespmem:s12+$0xFFFFFFD8], $0xff;
	_ =	sdelay $0x4  }
0xd8: {  	v3 =	vshll.u32 v2, $0x4  }
0xd9: {  	v2 =	vand.u32 $0x7, v2;
	v3 =	vand.u32 $0xFFFFFF80, v3  }
0xda: {  	v2 =	vor.u32 v2, v3  }
0xdb: {  	v2 =	vperm.xlane v2, v0;
	_ =	sdelay $0x1  }
0xdc: {  	v2 =	vadd.s32 v1, v2;
	_ =	sdelay $0x4  }
0xdd: {  	[tilespmem:s26], [sflag:$0x2] =	stream.indirect_vreg.gather [hbm4b:s2+s3], $0x80, v2, vm0, $0xb8;
	[tilespmem:$0x1C400] =	vst v63  }
0xde: {  	s13 =	simm.s32 $0x4C00  }
0xdf: {  	[tilespmem:s13], [sflag:$0x2] =	stream.indirect_vreg.gather [hbm4b:s5+s3], $0x80, v2, vm0, $0xb8;
	[tilespmem:$0x1C400] =	vst v63  }
0xe0: {  	s15 =	simm.s32 $0x5400  }
0xe1: {  	[tilespmem:s15], [sflag:$0x2] =	stream.indirect_vreg.gather [hbm4b:s6+s3], $0x80, v2, vm0, $0xb8;
	[tilespmem:$0x1C400] =	vst v63  }
0xe2: {  	s16 =	simm.s32 $0x5C00  }
0xe3: {  	[tilespmem:s16], [sflag:$0x2] =	stream.indirect_vreg.gather [hbm4b:s7+s3], $0x80, v2, vm0, $0xb8;
	[tilespmem:$0x1C400] =	vst v63  }
0xe4: {  	s20 =	simm.s32 $0x6400  }
0xe5: {  	[tilespmem:s20], [sflag:$0x2] =	stream.indirect_vreg.gather [hbm4b:s8+s3], $0x80, v2, vm0, $0xb8;
	[tilespmem:$0x1C400] =	vst v63  }
0xe6: {  	s26 =	simm.s32 $0x6C00  }
0xe7: {  	[tilespmem:s26], [sflag:$0x2] =	stream.indirect_vreg.gather [hbm4b:s9+s3], $0x80, v2, vm0, $0xb8;
	[tilespmem:$0x1C400] =	vst v63  }
0xe8: {  	s13 =	simm.s32 $0x7400  }
0xe9: {  	[tilespmem:s13], [sflag:$0x2] =	stream.indirect_vreg.gather [hbm4b:s10+s3], $0x80, v2, vm0, $0xb8;
	[tilespmem:$0x1C400] =	vst v63  }
0xea: {  	s15 =	simm.s32 $0x7C00  }
0xeb: {  	[tilespmem:s15], [sflag:$0x2] =	stream.indirect_vreg.gather [hbm4b:s11+s3], $0x80, v2, vm0, $0xb8;
	[tilespmem:$0x1C400] =	vst v63  }
0xec: {  	_ =	swait.ge [sflag:s21], $0x4000  }
0xed: {  	[sflag:s21] =	ssyncset.done $0x0  }
0xee: {  	s31 =	simm.s32 $0x8400;
	s16 =	sadd.s32 $0x1000, s17;
	[sflag:s21] =	ssyncadd.s32 $0xFFFFC000  }
0xef: {  	[hbm4b:s16+s3] =	stream.linear.scatter [tilespmem:s31], [sflag:$0xA], $0x4000, $0x38;
	[tilespmem:$0x1C400] =	vst v63  }
0xf0: {  	_ =	swait.ge [sflag:s22], $0x4000  }
0xf1: {  	[sflag:s22] =	ssyncset.done $0x0  }
0xf2: {  	[sflag:s22] =	ssyncadd.s32 $0xFFFFC000  }
0xf3: {  	v2 =	vld.msk [tilespmem:s12+$0xFFFFFFE0], $0xff;
	_ =	sdelay $0x4  }
0xf4: {  	v3 =	vshll.u32 v2, $0x4  }
0xf5: {  	v2 =	vand.u32 $0x7, v2;
	v3 =	vand.u32 $0xFFFFFF80, v3  }
0xf6: {  	v2 =	vor.u32 v2, v3  }
0xf7: {  	v2 =	vperm.xlane v2, v0;
	_ =	sdelay $0x1  }
0xf8: {  	v2 =	vadd.s32 v1, v2;
	_ =	sdelay $0x4  }
0xf9: {  	[tilespmem:s31], [sflag:$0x3] =	stream.indirect_vreg.gather [hbm4b:s2+s3], $0x80, v2, vm0, $0xb8;
	[tilespmem:$0x1C400] =	vst v63  }
0xfa: {  	s31 =	simm.s32 $0x8C00  }
0xfb: {  	[tilespmem:s31], [sflag:$0x3] =	stream.indirect_vreg.gather [hbm4b:s5+s3], $0x80, v2, vm0, $0xb8;
	[tilespmem:$0x1C400] =	vst v63  }
0xfc: {  	s20 =	simm.s32 $0x9400  }
0xfd: {  	[tilespmem:s20], [sflag:$0x3] =	stream.indirect_vreg.gather [hbm4b:s6+s3], $0x80, v2, vm0, $0xb8;
	[tilespmem:$0x1C400] =	vst v63  }
0xfe: {  	s13 =	simm.s32 $0x9C00  }
0xff: {  	[tilespmem:s13], [sflag:$0x3] =	stream.indirect_vreg.gather [hbm4b:s7+s3], $0x80, v2, vm0, $0xb8;
	[tilespmem:$0x1C400] =	vst v63  }
0x100: {  	s15 =	simm.s32 $0xA400  }
0x101: {  	[tilespmem:s15], [sflag:$0x3] =	stream.indirect_vreg.gather [hbm4b:s8+s3], $0x80, v2, vm0, $0xb8;
	[tilespmem:$0x1C400] =	vst v63  }
0x102: {  	s16 =	simm.s32 $0xAC00  }
0x103: {  	[tilespmem:s16], [sflag:$0x3] =	stream.indirect_vreg.gather [hbm4b:s9+s3], $0x80, v2, vm0, $0xb8;
	[tilespmem:$0x1C400] =	vst v63  }
0x104: {  	s20 =	simm.s32 $0xB400  }
0x105: {  	[tilespmem:s20], [sflag:$0x3] =	stream.indirect_vreg.gather [hbm4b:s10+s3], $0x80, v2, vm0, $0xb8;
	[tilespmem:$0x1C400] =	vst v63  }
0x106: {  	s13 =	simm.s32 $0xBC00  }
0x107: {  	[tilespmem:s13], [sflag:$0x3] =	stream.indirect_vreg.gather [hbm4b:s11+s3], $0x80, v2, vm0, $0xb8;
	[tilespmem:$0x1C400] =	vst v63  }
0x108: {  	_ =	swait.ge [sflag:s24], $0x4000  }
0x109: {  	[sflag:s24] =	ssyncset.done $0x0  }
0x10a: {  	s15 =	sadd.s32 $0x1800, s17;
	s16 =	simm.s32 $0xC400;
	[sflag:s24] =	ssyncadd.s32 $0xFFFFC000  }
0x10b: {  	[hbm4b:s15+s3] =	stream.linear.scatter [tilespmem:s16], [sflag:$0xB], $0x4000, $0x38;
	[tilespmem:$0x1C400] =	vst v63  }
0x10c: {  	_ =	swait.ge [sflag:s18], $0x4000  }
0x10d: {  	[sflag:s18] =	ssyncset.done $0x0  }
0x10e: {  	[sflag:s18] =	ssyncadd.s32 $0xFFFFC000  }
0x10f: {  	v2 =	vld.msk [tilespmem:s12+$0xFFFFFFE8], $0xff;
	_ =	sdelay $0x4  }
0x110: {  	v3 =	vshll.u32 v2, $0x4  }
0x111: {  	v2 =	vand.u32 $0x7, v2;
	v3 =	vand.u32 $0xFFFFFF80, v3  }
0x112: {  	v2 =	vor.u32 v2, v3  }
0x113: {  	v2 =	vperm.xlane v2, v0;
	_ =	sdelay $0x1  }
0x114: {  	v2 =	vadd.s32 v1, v2;
	_ =	sdelay $0x4  }
0x115: {  	[tilespmem:s16], [sflag:$0x4] =	stream.indirect_vreg.gather [hbm4b:s2+s3], $0x80, v2, vm0, $0xb8;
	[tilespmem:$0x1C400] =	vst v63  }
0x116: {  	s20 =	simm.s32 $0xCC00  }
0x117: {  	[tilespmem:s20], [sflag:$0x4] =	stream.indirect_vreg.gather [hbm4b:s5+s3], $0x80, v2, vm0, $0xb8;
	[tilespmem:$0x1C400] =	vst v63  }
0x118: {  	s13 =	simm.s32 $0xD400  }
0x119: {  	[tilespmem:s13], [sflag:$0x4] =	stream.indirect_vreg.gather [hbm4b:s6+s3], $0x80, v2, vm0, $0xb8;
	[tilespmem:$0x1C400] =	vst v63  }
0x11a: {  	s15 =	simm.s32 $0xDC00  }
0x11b: {  	[tilespmem:s15], [sflag:$0x4] =	stream.indirect_vreg.gather [hbm4b:s7+s3], $0x80, v2, vm0, $0xb8;
	[tilespmem:$0x1C400] =	vst v63  }
0x11c: {  	s16 =	simm.s32 $0xE400  }
0x11d: {  	[tilespmem:s16], [sflag:$0x4] =	stream.indirect_vreg.gather [hbm4b:s8+s3], $0x80, v2, vm0, $0xb8;
	[tilespmem:$0x1C400] =	vst v63  }
0x11e: {  	s20 =	simm.s32 $0xEC00  }
0x11f: {  	[tilespmem:s20], [sflag:$0x4] =	stream.indirect_vreg.gather [hbm4b:s9+s3], $0x80, v2, vm0, $0xb8;
	[tilespmem:$0x1C400] =	vst v63  }
0x120: {  	s13 =	simm.s32 $0xF400  }
0x121: {  	[tilespmem:s13], [sflag:$0x4] =	stream.indirect_vreg.gather [hbm4b:s10+s3], $0x80, v2, vm0, $0xb8;
	[tilespmem:$0x1C400] =	vst v63  }
0x122: {  	s15 =	simm.s32 $0xFC00  }
0x123: {  	[tilespmem:s15], [sflag:$0x4] =	stream.indirect_vreg.gather [hbm4b:s11+s3], $0x80, v2, vm0, $0xb8;
	[tilespmem:$0x1C400] =	vst v63  }
0x124: {  	_ =	swait.ge [sflag:s28], $0x4000  }
0x125: {  	[sflag:s28] =	ssyncset.done $0x0  }
0x126: {  	s16 =	sadd.s32 $0x2000, s17;
	s15 =	simm.s32 $0x10400;
	[sflag:s28] =	ssyncadd.s32 $0xFFFFC000  }
0x127: {  	[hbm4b:s16+s3] =	stream.linear.scatter [tilespmem:s15], [sflag:$0xC], $0x4000, $0x38;
	[tilespmem:$0x1C400] =	vst v63  }
0x128: {  	_ =	swait.ge [sflag:s4], $0x4000  }
0x129: {  	[sflag:s4] =	ssyncset.done $0x0  }
0x12a: {  	[sflag:s4] =	ssyncadd.s32 $0xFFFFC000  }
0x12b: {  	v2 =	vld.msk [tilespmem:s12+$0xFFFFFFF0], $0xff;
	_ =	sdelay $0x4  }
0x12c: {  	v3 =	vshll.u32 v2, $0x4  }
0x12d: {  	v2 =	vand.u32 $0x7, v2;
	v3 =	vand.u32 $0xFFFFFF80, v3  }
0x12e: {  	v2 =	vor.u32 v2, v3  }
0x12f: {  	v2 =	vperm.xlane v2, v0;
	_ =	sdelay $0x1  }
0x130: {  	v2 =	vadd.s32 v1, v2;
	_ =	sdelay $0x4  }
0x131: {  	[tilespmem:s15], [sflag:$0x5] =	stream.indirect_vreg.gather [hbm4b:s2+s3], $0x80, v2, vm0, $0xb8;
	[tilespmem:$0x1C400] =	vst v63  }
0x132: {  	s15 =	simm.s32 $0x10C00  }
0x133: {  	[tilespmem:s15], [sflag:$0x5] =	stream.indirect_vreg.gather [hbm4b:s5+s3], $0x80, v2, vm0, $0xb8;
	[tilespmem:$0x1C400] =	vst v63  }
0x134: {  	s20 =	simm.s32 $0x11400  }
0x135: {  	[tilespmem:s20], [sflag:$0x5] =	stream.indirect_vreg.gather [hbm4b:s6+s3], $0x80, v2, vm0, $0xb8;
	[tilespmem:$0x1C400] =	vst v63  }
0x136: {  	s16 =	simm.s32 $0x11C00  }
0x137: {  	[tilespmem:s16], [sflag:$0x5] =	stream.indirect_vreg.gather [hbm4b:s7+s3], $0x80, v2, vm0, $0xb8;
	[tilespmem:$0x1C400] =	vst v63  }
0x138: {  	s20 =	simm.s32 $0x12400  }
0x139: {  	[tilespmem:s20], [sflag:$0x5] =	stream.indirect_vreg.gather [hbm4b:s8+s3], $0x80, v2, vm0, $0xb8;
	[tilespmem:$0x1C400] =	vst v63  }
0x13a: {  	s16 =	simm.s32 $0x12C00  }
0x13b: {  	[tilespmem:s16], [sflag:$0x5] =	stream.indirect_vreg.gather [hbm4b:s9+s3], $0x80, v2, vm0, $0xb8;
	[tilespmem:$0x1C400] =	vst v63  }
0x13c: {  	s20 =	simm.s32 $0x13400  }
0x13d: {  	[tilespmem:s20], [sflag:$0x5] =	stream.indirect_vreg.gather [hbm4b:s10+s3], $0x80, v2, vm0, $0xb8;
	[tilespmem:$0x1C400] =	vst v63  }
0x13e: {  	s16 =	simm.s32 $0x13C00  }
0x13f: {  	[tilespmem:s16], [sflag:$0x5] =	stream.indirect_vreg.gather [hbm4b:s11+s3], $0x80, v2, vm0, $0xb8;
	[tilespmem:$0x1C400] =	vst v63  }
0x140: {  	_ =	swait.ge [sflag:s25], $0x4000  }
0x141: {  	[sflag:s25] =	ssyncset.done $0x0  }
0x142: {  	s20 =	sadd.s32 $0x2800, s17;
	s16 =	simm.s32 $0x14400;
	[sflag:s25] =	ssyncadd.s32 $0xFFFFC000  }
0x143: {  	[hbm4b:s20+s3] =	stream.linear.scatter [tilespmem:s16], [sflag:$0xD], $0x4000, $0x38;
	[tilespmem:$0x1C400] =	vst v63  }
0x144: {  	_ =	swait.ge [sflag:s19], $0x4000  }
0x145: {  	[sflag:s19] =	ssyncset.done $0x0  }
0x146: {  	[sflag:s19] =	ssyncadd.s32 $0xFFFFC000  }
0x147: {  	v2 =	vld.msk [tilespmem:s12+$0xFFFFFFF8], $0xff;
	_ =	sdelay $0x4  }
0x148: {  	v3 =	vshll.u32 v2, $0x4  }
0x149: {  	v2 =	vand.u32 $0x7, v2;
	v3 =	vand.u32 $0xFFFFFF80, v3  }
0x14a: {  	v2 =	vor.u32 v2, v3  }
0x14b: {  	v2 =	vperm.xlane v2, v0;
	_ =	sdelay $0x1  }
0x14c: {  	v2 =	vadd.s32 v1, v2;
	_ =	sdelay $0x4  }
0x14d: {  	[tilespmem:s16], [sflag:$0x6] =	stream.indirect_vreg.gather [hbm4b:s2+s3], $0x80, v2, vm0, $0xb8;
	[tilespmem:$0x1C400] =	vst v63  }
0x14e: {  	s16 =	simm.s32 $0x14C00  }
0x14f: {  	[tilespmem:s16], [sflag:$0x6] =	stream.indirect_vreg.gather [hbm4b:s5+s3], $0x80, v2, vm0, $0xb8;
	[tilespmem:$0x1C400] =	vst v63  }
0x150: {  	s20 =	simm.s32 $0x15400  }
0x151: {  	[tilespmem:s20], [sflag:$0x6] =	stream.indirect_vreg.gather [hbm4b:s6+s3], $0x80, v2, vm0, $0xb8;
	[tilespmem:$0x1C400] =	vst v63  }
0x152: {  	s20 =	simm.s32 $0x15C00  }
0x153: {  	[tilespmem:s20], [sflag:$0x6] =	stream.indirect_vreg.gather [hbm4b:s7+s3], $0x80, v2, vm0, $0xb8;
	[tilespmem:$0x1C400] =	vst v63  }
0x154: {  	s20 =	simm.s32 $0x16400  }
0x155: {  	[tilespmem:s20], [sflag:$0x6] =	stream.indirect_vreg.gather [hbm4b:s8+s3], $0x80, v2, vm0, $0xb8;
	[tilespmem:$0x1C400] =	vst v63  }
0x156: {  	s20 =	simm.s32 $0x16C00  }
0x157: {  	[tilespmem:s20], [sflag:$0x6] =	stream.indirect_vreg.gather [hbm4b:s9+s3], $0x80, v2, vm0, $0xb8;
	[tilespmem:$0x1C400] =	vst v63  }
0x158: {  	s20 =	simm.s32 $0x17400  }
0x159: {  	[tilespmem:s20], [sflag:$0x6] =	stream.indirect_vreg.gather [hbm4b:s10+s3], $0x80, v2, vm0, $0xb8;
	[tilespmem:$0x1C400] =	vst v63  }
0x15a: {  	s20 =	simm.s32 $0x17C00  }
0x15b: {  	[tilespmem:s20], [sflag:$0x6] =	stream.indirect_vreg.gather [hbm4b:s11+s3], $0x80, v2, vm0, $0xb8;
	[tilespmem:$0x1C400] =	vst v63  }
0x15c: {  	_ =	swait.ge [sflag:s14], $0x4000  }
0x15d: {  	[sflag:s14] =	ssyncset.done $0x0  }
0x15e: {  	s17 =	sadd.s32 $0x3000, s17;
	s20 =	simm.s32 $0x18400;
	[sflag:s14] =	ssyncadd.s32 $0xFFFFC000  }
0x15f: {  	[hbm4b:s17+s3] =	stream.linear.scatter [tilespmem:s20], [sflag:$0xE], $0x4000, $0x38;
	[tilespmem:$0x1C400] =	vst v63  }
0x160: {  	s17 =	simm.s32 $0xE  }
0x161: {  	_ =	swait.ge [sflag:s17], $0x4000  }
0x162: {  	[sflag:s17] =	ssyncset.done $0x0  }
0x163: {  	[sflag:s17] =	ssyncadd.s32 $0xFFFFC000  }
0x164: {  	v2 =	vld.msk [tilespmem:s12+$0x0], $0xff;
	_ =	sdelay $0x4  }
0x165: {  	v3 =	vshll.u32 v2, $0x4  }
0x166: {  	v2 =	vand.u32 $0x7, v2;
	v3 =	vand.u32 $0xFFFFFF80, v3  }
0x167: {  	v2 =	vor.u32 v2, v3  }
0x168: {  	v2 =	vperm.xlane v2, v0;
	_ =	sdelay $0x1  }
0x169: {  	v2 =	vadd.s32 v1, v2;
	_ =	sdelay $0x4  }
0x16a: {  	[tilespmem:s20], [sflag:$0x7] =	stream.indirect_vreg.gather [hbm4b:s2+s3], $0x80, v2, vm0, $0xb8;
	[tilespmem:$0x1C400] =	vst v63  }
0x16b: {  	s20 =	simm.s32 $0x18C00  }
0x16c: {  	[tilespmem:s20], [sflag:$0x7] =	stream.indirect_vreg.gather [hbm4b:s5+s3], $0x80, v2, vm0, $0xb8;
	[tilespmem:$0x1C400] =	vst v63  }
0x16d: {  	s20 =	simm.s32 $0x19400  }
0x16e: {  	[tilespmem:s20], [sflag:$0x7] =	stream.indirect_vreg.gather [hbm4b:s6+s3], $0x80, v2, vm0, $0xb8;
	[tilespmem:$0x1C400] =	vst v63  }
0x16f: {  	s20 =	simm.s32 $0x19C00  }
0x170: {  	[tilespmem:s20], [sflag:$0x7] =	stream.indirect_vreg.gather [hbm4b:s7+s3], $0x80, v2, vm0, $0xb8;
	[tilespmem:$0x1C400] =	vst v63  }
0x171: {  	s20 =	simm.s32 $0x1A400  }
0x172: {  	[tilespmem:s20], [sflag:$0x7] =	stream.indirect_vreg.gather [hbm4b:s8+s3], $0x80, v2, vm0, $0xb8;
	[tilespmem:$0x1C400] =	vst v63  }
0x173: {  	s30 =	simm.s32 $0xC400;
	p0 =	sne.s32 s23, $0x38000;
	s20 =	simm.s32 $0x1AC00  }
0x174: {  	[tilespmem:s20], [sflag:$0x7] =	stream.indirect_vreg.gather [hbm4b:s9+s3], $0x80, v2, vm0, $0xb8;
	[tilespmem:$0x1C400] =	vst v63  }
.Ltmp0:
0x175: {  	s29 =	simm.s32 $0x14400;
	s23 =	sadd.s32 $0x3800, s23;
	(pc) =	sbr.rel @p0 .LBB2_2-.Ltmp0, $4  }
0x176: {  	s26 =	simm.s32 $0x8400;
	s13 =	simm.s32 $0x10400;
	s20 =	simm.s32 $0x1B400  }
0x177: {  	[tilespmem:s20], [sflag:$0x7] =	stream.indirect_vreg.gather [hbm4b:s10+s3], $0x80, v2, vm0, $0xb8;
	[tilespmem:$0x1C400] =	vst v63  }
0x178: {  	s17 =	simm.s32 $0x18400;
	s12 =	sadd.s32 $0x38, s12;
	s20 =	simm.s32 $0x1BC00  }
0x179: {  	[tilespmem:s20], [sflag:$0x7] =	stream.indirect_vreg.gather [hbm4b:s11+s3], $0x80, v2, vm0, $0xb8;
	[tilespmem:$0x1C400] =	vst v63  }
0x17a: {  	_ =	swait.ge [sflag:s1], $0x4000  }
0x17b: {  	s12 =	simm.s32 $0x400;
	[sflag:s1] =	ssyncset.done $0x0  }
0x17c: {  	s23 =	simm.s32 $0x8;
	s0 =	rddreg [dreg:$0x6];
	[sflag:s1] =	ssyncadd.s32 $0xFFFFC000  }
0x17d: {  	[hbm4b:s0+s3] =	stream.linear.scatter [tilespmem:s12], [sflag:$0x8], $0x4000, $0x38;
	[tilespmem:$0x1C400] =	vst v63  }
0x17e: {  	_ =	swait.ge [sflag:s23], $0x4000  }
0x17f: {  	[sflag:s23] =	ssyncset.done $0x0  }
0x180: {  	[sflag:s23] =	ssyncadd.s32 $0xFFFFC000  }
0x181: {  	v2 =	vld.msk [tilespmem:$0x3F0], $0xff;
	_ =	sdelay $0x4  }
0x182: {  	v3 =	vshll.u32 v2, $0x4  }
0x183: {  	v2 =	vand.u32 $0x7, v2;
	v3 =	vand.u32 $0xFFFFFF80, v3  }
0x184: {  	v2 =	vor.u32 v2, v3  }
0x185: {  	v2 =	vperm.xlane v2, v0;
	_ =	sdelay $0x1  }
0x186: {  	v2 =	vadd.s32 v1, v2;
	_ =	sdelay $0x4  }
0x187: {  	[tilespmem:s12], [sflag:$0x1] =	stream.indirect_vreg.gather [hbm4b:s2+s3], $0x80, v2, vm0, $0xb8;
	[tilespmem:$0x1C400] =	vst v63  }
0x188: {  	s12 =	simm.s32 $0xC00  }
0x189: {  	[tilespmem:s12], [sflag:$0x1] =	stream.indirect_vreg.gather [hbm4b:s5+s3], $0x80, v2, vm0, $0xb8;
	[tilespmem:$0x1C400] =	vst v63  }
0x18a: {  	s20 =	simm.s32 $0x1400  }
0x18b: {  	[tilespmem:s20], [sflag:$0x1] =	stream.indirect_vreg.gather [hbm4b:s6+s3], $0x80, v2, vm0, $0xb8;
	[tilespmem:$0x1C400] =	vst v63  }
0x18c: {  	s12 =	simm.s32 $0x1C00  }
0x18d: {  	[tilespmem:s12], [sflag:$0x1] =	stream.indirect_vreg.gather [hbm4b:s7+s3], $0x80, v2, vm0, $0xb8;
	[tilespmem:$0x1C400] =	vst v63  }
0x18e: {  	s20 =	simm.s32 $0x2400  }
0x18f: {  	[tilespmem:s20], [sflag:$0x1] =	stream.indirect_vreg.gather [hbm4b:s8+s3], $0x80, v2, vm0, $0xb8;
	[tilespmem:$0x1C400] =	vst v63  }
0x190: {  	s12 =	simm.s32 $0x2C00  }
0x191: {  	[tilespmem:s12], [sflag:$0x1] =	stream.indirect_vreg.gather [hbm4b:s9+s3], $0x80, v2, vm0, $0xb8;
	[tilespmem:$0x1C400] =	vst v63  }
0x192: {  	s20 =	simm.s32 $0x3400  }
0x193: {  	[tilespmem:s20], [sflag:$0x1] =	stream.indirect_vreg.gather [hbm4b:s10+s3], $0x80, v2, vm0, $0xb8;
	[tilespmem:$0x1C400] =	vst v63  }
0x194: {  	s12 =	simm.s32 $0x3C00  }
0x195: {  	[tilespmem:s12], [sflag:$0x1] =	stream.indirect_vreg.gather [hbm4b:s11+s3], $0x80, v2, vm0, $0xb8;
	[tilespmem:$0x1C400] =	vst v63  }
0x196: {  	s12 =	simm.s32 $0x2  }
0x197: {  	_ =	swait.ge [sflag:s12], $0x4000  }
0x198: {  	[sflag:s12] =	ssyncset.done $0x0  }
0x199: {  	s20 =	simm.s32 $0x4400;
	s0 =	rddreg [dreg:$0x7];
	[sflag:s12] =	ssyncadd.s32 $0xFFFFC000  }
0x19a: {  	[hbm4b:s0+s3] =	stream.linear.scatter [tilespmem:s20], [sflag:$0x9], $0x4000, $0x38;
	[tilespmem:$0x1C400] =	vst v63  }
0x19b: {  	s20 =	simm.s32 $0x9  }
0x19c: {  	_ =	swait.ge [sflag:s20], $0x4000  }
0x19d: {  	[sflag:s20] =	ssyncset.done $0x0  }
0x19e: {  	[sflag:s20] =	ssyncadd.s32 $0xFFFFC000  }
0x19f: {  	v2 =	vld.msk [tilespmem:$0x3F8], $0xff;
	_ =	sdelay $0x4  }
0x1a0: {  	v3 =	vshll.u32 v2, $0x4  }
0x1a1: {  	v2 =	vand.u32 $0x7, v2;
	v3 =	vand.u32 $0xFFFFFF80, v3  }
0x1a2: {  	v2 =	vor.u32 v2, v3  }
0x1a3: {  	v2 =	vperm.xlane v2, v0;
	_ =	sdelay $0x1  }
0x1a4: {  	v2 =	vadd.s32 v1, v2;
	_ =	sdelay $0x3  }
0x1a5: {  	s0 =	simm.s32 $0x4400  }
0x1a6: {  	[tilespmem:s0], [sflag:$0x2] =	stream.indirect_vreg.gather [hbm4b:s2+s3], $0x80, v2, vm0, $0xb8;
	[tilespmem:$0x1C400] =	vst v63  }
0x1a7: {  	s0 =	simm.s32 $0x4C00  }
0x1a8: {  	[tilespmem:s0], [sflag:$0x2] =	stream.indirect_vreg.gather [hbm4b:s5+s3], $0x80, v2, vm0, $0xb8;
	[tilespmem:$0x1C400] =	vst v63  }
0x1a9: {  	s0 =	simm.s32 $0x5400  }
0x1aa: {  	[tilespmem:s0], [sflag:$0x2] =	stream.indirect_vreg.gather [hbm4b:s6+s3], $0x80, v2, vm0, $0xb8;
	[tilespmem:$0x1C400] =	vst v63  }
0x1ab: {  	s0 =	simm.s32 $0x5C00  }
0x1ac: {  	[tilespmem:s0], [sflag:$0x2] =	stream.indirect_vreg.gather [hbm4b:s7+s3], $0x80, v2, vm0, $0xb8;
	[tilespmem:$0x1C400] =	vst v63  }
0x1ad: {  	s0 =	simm.s32 $0x6400  }
0x1ae: {  	[tilespmem:s0], [sflag:$0x2] =	stream.indirect_vreg.gather [hbm4b:s8+s3], $0x80, v2, vm0, $0xb8;
	[tilespmem:$0x1C400] =	vst v63  }
0x1af: {  	s0 =	simm.s32 $0x6C00  }
0x1b0: {  	[tilespmem:s0], [sflag:$0x2] =	stream.indirect_vreg.gather [hbm4b:s9+s3], $0x80, v2, vm0, $0xb8;
	[tilespmem:$0x1C400] =	vst v63  }
0x1b1: {  	s0 =	simm.s32 $0x7400  }
0x1b2: {  	[tilespmem:s0], [sflag:$0x2] =	stream.indirect_vreg.gather [hbm4b:s10+s3], $0x80, v2, vm0, $0xb8;
	[tilespmem:$0x1C400] =	vst v63  }
0x1b3: {  	s0 =	simm.s32 $0x7C00  }
0x1b4: {  	[tilespmem:s0], [sflag:$0x2] =	stream.indirect_vreg.gather [hbm4b:s11+s3], $0x80, v2, vm0, $0xb8;
	[tilespmem:$0x1C400] =	vst v63  }
0x1b5: {  	_ =	swait.ge [sflag:s21], $0x4000  }
0x1b6: {  	[sflag:s21] =	ssyncset.done $0x0  }
0x1b7: {  	s0 =	rddreg [dreg:$0x8];
	[sflag:s21] =	ssyncadd.s32 $0xFFFFC000  }
0x1b8: {  	[hbm4b:s0+s3] =	stream.linear.scatter [tilespmem:s26], [sflag:$0xA], $0x4000, $0x38;
	[tilespmem:$0x1C400] =	vst v63  }
0x1b9: {  	_ =	swait.ge [sflag:s22], $0x4000  }
0x1ba: {  	[sflag:s22] =	ssyncset.done $0x0  }
0x1bb: {  	[sflag:s22] =	ssyncadd.s32 $0xFFFFC000  }
0x1bc: {  	_ =	swait.ge [sflag:s24], $0x4000  }
0x1bd: {  	[sflag:s24] =	ssyncset.done $0x0  }
0x1be: {  	s0 =	rddreg [dreg:$0x9];
	[sflag:s24] =	ssyncadd.s32 $0xFFFFC000  }
0x1bf: {  	[hbm4b:s0+s3] =	stream.linear.scatter [tilespmem:s30], [sflag:$0xB], $0x4000, $0x38;
	[tilespmem:$0x1C400] =	vst v63  }
0x1c0: {  	_ =	swait.ge [sflag:s18], $0x4000  }
0x1c1: {  	[sflag:s18] =	ssyncset.done $0x0  }
0x1c2: {  	[sflag:s18] =	ssyncadd.s32 $0xFFFFC000  }
0x1c3: {  	_ =	swait.ge [sflag:s28], $0x4000  }
0x1c4: {  	[sflag:s28] =	ssyncset.done $0x0  }
0x1c5: {  	s18 =	rddreg [dreg:$0xa];
	[sflag:s28] =	ssyncadd.s32 $0xFFFFC000  }
0x1c6: {  	[hbm4b:s18+s3] =	stream.linear.scatter [tilespmem:s13], [sflag:$0xC], $0x4000, $0x38;
	[tilespmem:$0x1C400] =	vst v63  }
0x1c7: {  	_ =	swait.ge [sflag:s4], $0x4000  }
0x1c8: {  	[sflag:s4] =	ssyncset.done $0x0  }
0x1c9: {  	[sflag:s4] =	ssyncadd.s32 $0xFFFFC000  }
0x1ca: {  	_ =	swait.ge [sflag:s25], $0x4000  }
0x1cb: {  	[sflag:s25] =	ssyncset.done $0x0  }
0x1cc: {  	s4 =	rddreg [dreg:$0xb];
	[sflag:s25] =	ssyncadd.s32 $0xFFFFC000  }
0x1cd: {  	[hbm4b:s4+s3] =	stream.linear.scatter [tilespmem:s29], [sflag:$0xD], $0x4000, $0x38;
	[tilespmem:$0x1C400] =	vst v63  }
0x1ce: {  	_ =	swait.ge [sflag:s19], $0x4000  }
0x1cf: {  	[sflag:s19] =	ssyncset.done $0x0  }
0x1d0: {  	[sflag:s19] =	ssyncadd.s32 $0xFFFFC000  }
0x1d1: {  	_ =	swait.ge [sflag:s14], $0x4000  }
0x1d2: {  	[sflag:s14] =	ssyncset.done $0x0  }
0x1d3: {  	s4 =	simm.s32 $0xE;
	s18 =	rddreg [dreg:$0xc];
	[sflag:s14] =	ssyncadd.s32 $0xFFFFC000  }
0x1d4: {  	[hbm4b:s18+s3] =	stream.linear.scatter [tilespmem:s17], [sflag:$0xE], $0x4000, $0x38;
	[tilespmem:$0x1C400] =	vst v63  }
0x1d5: {  	_ =	swait.ge [sflag:s4], $0x4000  }
0x1d6: {  	[sflag:s4] =	ssyncset.done $0x0  }
0x1d7: {  	[sflag:s4] =	ssyncadd.s32 $0xFFFFC000  }
0x1d8: {  	_ =	swait.ge [sflag:s1], $0x4000  }
0x1d9: {  	[sflag:s1] =	ssyncset.done $0x0  }
0x1da: {  	s18 =	simm.s32 $0x400;
	s14 =	rddreg [dreg:$0xd];
	[sflag:s1] =	ssyncadd.s32 $0xFFFFC000  }
0x1db: {  	[hbm4b:s14+s3] =	stream.linear.scatter [tilespmem:s18], [sflag:$0x8], $0x4000, $0x38;
	[tilespmem:$0x1C400] =	vst v63  }
0x1dc: {  	_ =	swait.ge [sflag:s23], $0x4000  }
0x1dd: {  	[sflag:s23] =	ssyncset.done $0x0  }
0x1de: {  	[sflag:s23] =	ssyncadd.s32 $0xFFFFC000  }
0x1df: {  	_ =	swait.ge [sflag:s12], $0x4000  }
0x1e0: {  	[sflag:s12] =	ssyncset.done $0x0  }
0x1e1: {  	s1 =	rddreg [dreg:$0xe];
	[sflag:s12] =	ssyncadd.s32 $0xFFFFC000;
	s12 =	simm.s32 $0x4400  }
0x1e2: {  	[hbm4b:s1+s3] =	stream.linear.scatter [tilespmem:s12], [sflag:$0x9], $0x4000, $0x38;
	[tilespmem:$0x1C400] =	vst v63  }
0x1e3: {  	_ =	swait.ge [sflag:s20], $0x4000  }
0x1e4: {  	s14 =	rddreg [dreg:$0x10]  }
0x1e5: {  	s18 =	rddreg [dreg:$0xf];
	s1 =	sadd.s32 $0x1, s14  }
0x1e6: {  	p0 =	sne.s32 s1, s18  }
.Ltmp1:
0x1e7: {  	_ = 	snop;
	(pc) =	sbr.rel @p0 .LBB2_1-.Ltmp1, $4  }
0x1e8: {  	_ = 	snop  }
0x1e9: {  	s4 =	simm.s32 $0x400;
	[sflag:s20] =	ssyncset.done $0x0  }
0x1ea: {  	s23 =	simm.s32 $0x4400;
	s12 =	simm.s32 $0x9400;
	[sflag:s20] =	ssyncadd.s32 $0xFFFFC000  }
0x1eb: {  	s14 =	simm.s32 $0x9C00;
	s20 =	simm.s32 $0x18C00;
	s18 =	simm.s32 $0xA400  }
0x1ec: {  	_ =	sfence.sel $0x180000  }
0x1ed: {  	[bflag:$0x0] =	sbarrier.arrive $0xFFFF  }
0x1ee: {  	_ =	strace $0x90000047  }
0x1ef: {  	s0 =	stileid.u32;
	[bflag:$0x2] =	sbarrier.arrive $0xFFFF  }
0x1f0: {  	p0 =	sne.s32 s0, $0x0;
	s0 =	rddreg [dreg:$0x3]  }
0x1f1: {  	s0 =	sadd.s32 @!p0 $0x100000, s0  }
0x1f2: {  	[sflag:s0] =	ssyncadd.tile.s32 @!p0 $0x1;
	_ =	shalt  }
.Lfunc_end2:
_tile_overlayer_lowered:
.L_overlay_start_2:
0x1f3: {  	(tag) =	ssettag $0x2  }
0x1f4: {  	s0 =	rddreg [dreg:$0x0];
	s2 =	stileid.u32  }
0x1f5: {  	s1 =	rddreg [dreg:$0x1];
	p0 =	sne.s32 s2, $0x0  }
0x1f6: {  	s3 =	rddreg [dreg:$0x2];
	[bflag:$0x3] =	sbarrier.arrive $0xFFFF;
	s2 =	simm.s32 @!p0 $0x1C0F  }
0x1f7: {  	[timem:s3], [sflag:s2] =	dma.local @!p0 [hbm:s0], s1  }
0x1f8: {  	s0 =	simm.s32 @!p0 $0xF  }
0x1f9: {  	_ =	swait.ge @!p0 [sflag:s0], s1  }
0x1fa: {  	s1 =	ssub.s32 @!p0 $0x0, s1;
	[sflag:s0] =	ssyncset.done @!p0 $0x0  }
0x1fb: {  	[sflag:s0] =	ssyncadd.s32 @!p0 s1  }
0x1fc: {  	[bflag:$0x3] =	sbarrier.arrive $0xFFFF  }
0x1fd: {  	_ =	shalt  }

</sc_bundles>
